<compile_context>
chip_gen: v7x
topology: tpu7x:2x2x1
jax: 0.10.2.dev20260603
libtpu: 0.0.44.dev20260713+nightly
codegen_flags: <defaults>
</compile_context>

<pallas_src>
import functools

import jax
import jax.numpy as jnp
from jax import lax
from jax.experimental import pallas as pl
from jax.experimental.pallas import tpu as pltpu
from jax.experimental.pallas import tpu_sc as plsc

N = 10000
E = 320000
D = 128

NC = 2
NS = 16
NW = NC * NS
EW = E // NW
C = 80
WPW = EW // C
RPT = 624
TAIL0 = NS * RPT
TAILR = N - TAIL0
ZR = 16

_mesh = plsc.VectorSubcoreMesh(
    core_axis_name="c", subcore_axis_name="s", num_cores=NC, num_subcores=NS
)


@functools.partial(
    pl.kernel,
    out_type=(
        jax.ShapeDtypeStruct((N, D), jnp.float32),
        jax.ShapeDtypeStruct((N, D), jnp.float32),
    ),
    mesh=_mesh,
    compiler_params=pltpu.CompilerParams(needs_layout_passes=False),
    scratch_types=[
        pltpu.VMEM((WPW, C), jnp.int32),
        pltpu.VMEM((EW,), jnp.int32),
        pltpu.VMEM((C,), jnp.float32),
        pltpu.VMEM((C,), jnp.float32),
        pltpu.VMEM((C, D), jnp.float32),
        pltpu.VMEM((C, D), jnp.float32),
        pltpu.VMEM_SHARED((N, D), jnp.float32),
        pltpu.SemaphoreType.DMA,
        pltpu.SemaphoreType.DMA,
        pltpu.SemaphoreType.DMA,
        pltpu.SemaphoreType.DMA,
        pltpu.SemaphoreType.DMA,
        pltpu.SemaphoreType.DMA,
    ],
)
def _sc_spmm(x_hbm, e_hbm, rows_hbm, cols_hbm, vals_hbm, p0_hbm, p1_hbm,
             rows_v, cols_v, vbuf0, vbuf1, xrows0, xrows1, acc_sh,
             gsem0, gsem1, ssem0, ssem1, vsem0, vsem1):
    c = lax.axis_index("c")
    s = lax.axis_index("s")
    wid = c * NS + s
    r0 = s * RPT
    eb = wid * EW

    @pl.when(c == 0)
    def _():
        pltpu.sync_copy(e_hbm.at[pl.ds(r0, RPT)], acc_sh.at[pl.ds(r0, RPT)])

        @pl.when(s == 0)
        def _():
            pltpu.sync_copy(
                e_hbm.at[pl.ds(TAIL0, TAILR)], acc_sh.at[pl.ds(TAIL0, TAILR)]
            )

    @pl.when(c != 0)
    def _():
        def zrow(i, carry):
            for j in range(D // 16):
                xrows0[i, pl.ds(16 * j, 16)] = jnp.zeros((16,), jnp.float32)
            return carry
        lax.fori_loop(0, ZR, zrow, 0)

        def zcopy(k, carry):
            pltpu.sync_copy(
                xrows0.at[pl.ds(0, ZR)],
                acc_sh.at[pl.ds(r0 + k * ZR, ZR)],
            )
            return carry
        lax.fori_loop(0, RPT // ZR, zcopy, 0)

        @pl.when(s == 0)
        def _():
            pltpu.sync_copy(
                xrows0.at[pl.ds(0, TAILR)], acc_sh.at[pl.ds(TAIL0, TAILR)]
            )

    pltpu.sync_copy(rows_hbm.at[wid], rows_v)
    pltpu.sync_copy(cols_hbm.at[pl.ds(eb, EW)], cols_v)

    plsc.subcore_barrier()

    bufs = (xrows0, xrows1)
    gsems = (gsem0, gsem1)
    ssems = (ssem0, ssem1)
    vbufs = (vbuf0, vbuf1)
    vsems = (vsem0, vsem1)

    def gstart(w, p):
        pltpu.async_copy(
            x_hbm.at[cols_v.at[pl.ds(w * C, C)]], bufs[p], gsems[p]
        )
        pltpu.async_copy(
            vals_hbm.at[pl.ds(eb + w * C, C)], vbufs[p], vsems[p]
        )

    def gwait(w, p):
        pltpu.make_async_copy(
            x_hbm.at[cols_v.at[pl.ds(w * C, C)]], bufs[p], gsems[p]
        ).wait()
        pltpu.make_async_copy(
            vals_hbm.at[pl.ds(eb + w * C, C)], vbufs[p], vsems[p]
        ).wait()

    def sstart(w, buf, ssem):
        pltpu.async_copy(buf, acc_sh.at[rows_v.at[w]], ssem, add=True)

    def swait(w, buf, ssem):
        pltpu.make_async_copy(buf, acc_sh.at[rows_v.at[w]], ssem).wait()

    def scale(p):
        buf = bufs[p]
        vbuf = vbufs[p]

        @plsc.parallel_loop(0, C, 1, unroll=2)
        def _(e_loc):
            vs = plsc.load_gather(
                vbuf, [jnp.full((16,), e_loc, jnp.int32)]
            ) * jnp.float32(0.4)
            for j in range(D // 16):
                sl = pl.ds(16 * j, 16)
                buf[e_loc, sl] = buf[e_loc, sl] * vs

    def step(w, p):
        buf, ssem = bufs[p], ssems[p]
        ob, ossem = bufs[1 - p], ssems[1 - p]
        @pl.when(w >= 1)
        def _():
            swait(w - 1, ob, ossem)

        @pl.when(w + 1 < WPW)
        def _():
            gstart(w + 1, 1 - p)

        gwait(w, p)
        scale(p)
        sstart(w, buf, ssem)

    gstart(0, 0)

    def body(i, carry):
        w0 = 2 * i
        step(w0, 0)

        @pl.when(w0 + 1 < WPW)
        def _():
            step(w0 + 1, 1)

        return carry

    lax.fori_loop(0, (WPW + 1) // 2, body, 0)

    p_last = (WPW - 1) % 2
    swait(WPW - 1, bufs[p_last], ssems[p_last])

    plsc.subcore_barrier()

    @pl.when(c == 0)
    def _():
        pltpu.sync_copy(acc_sh.at[pl.ds(r0, RPT)], p0_hbm.at[pl.ds(r0, RPT)])

        @pl.when(s == 0)
        def _():
            pltpu.sync_copy(
                acc_sh.at[pl.ds(TAIL0, TAILR)], p0_hbm.at[pl.ds(TAIL0, TAILR)]
            )

    @pl.when(c != 0)
    def _():
        pltpu.sync_copy(acc_sh.at[pl.ds(r0, RPT)], p1_hbm.at[pl.ds(r0, RPT)])

        @pl.when(s == 0)
        def _():
            pltpu.sync_copy(
                acc_sh.at[pl.ds(TAIL0, TAILR)], p1_hbm.at[pl.ds(TAIL0, TAILR)]
            )


def _combine_body(p0_ref, p1_ref, x_ref, o_ref):
    o_ref[...] = p0_ref[...] + p1_ref[...] - x_ref[...]


_ROWS_PER_BLK = 1000


def _combine(p0, p1, x):
    spec = pl.BlockSpec((_ROWS_PER_BLK, D), lambda i: (i, 0))
    return pl.pallas_call(
        _combine_body,
        grid=(N // _ROWS_PER_BLK,),
        in_specs=[spec, spec, spec],
        out_specs=spec,
        out_shape=jax.ShapeDtypeStruct((N, D), jnp.float32),
    )(p0, p1, x)


def kernel(t, x, e, hg_values, hg_indices):
    rows3d = hg_indices[0].reshape(NW, WPW, C)
    cols = hg_indices[1]
    p0, p1 = _sc_spmm(x, e, rows3d, cols, hg_values)
    return _combine(p0, p1, x)

# --- scband reference (transcript-rebuilt; emitter-appended) ---
"""Pipeline reference for scband-geo-odefunc-18854906429537 (READ-ONLY COPY).

The authoritative reference and input builder live on the scoring server;
editing this copy changes nothing except your own understanding.
"""

import jax, jax.numpy as jnp
import numpy as np

N = 10000
E = 320000
D = 128

def setup_inputs(seed: int = 0) -> dict:
    key = jax.random.key(seed)
    k1, k2, k3, k4 = jax.random.split(key, 4)
    t = jnp.zeros((1,), dtype=jnp.float32)
    x = jax.random.normal(k1, (N, D), dtype=jnp.float32)
    # self.e: embedding state set via update_e(emb)
    e = jax.random.normal(k2, (N, D), dtype=jnp.float32)
    # self.Geo_HG: sparse [N, N] hypergraph adjacency stored as COO (indices + values)
    hg_values = jax.random.uniform(k3, (E,), dtype=jnp.float32)
    hg_indices = jax.random.randint(k4, (2, E), 0, N, dtype=jnp.int32)
    return {"t": t, "x": x, "e": e, "hg_values": hg_values, "hg_indices": hg_indices}

def reference(t, x, e, hg_values, hg_indices):
    # alpha = 0.8 everywhere on HG's sparsity pattern; (alpha/2) * HG is an
    # elementwise scale of the sparse values by 0.4, then sparse.mm with x.
    rows = hg_indices[0]
    cols = hg_indices[1]
    scaled_vals = (0.8 / 2.0) * hg_values
    gathered = jnp.take(x, cols, axis=0) * scaled_vals[:, None]
    spmm = jax.ops.segment_sum(gathered, rows, num_segments=N)
    propag_pois_embs = spmm - x
    f = propag_pois_embs + e
    return f

if __name__ == "__main__":
    import jax
    _d = setup_inputs()
    print(jax.jit(kernel)(*tuple(_d.values())))

</pallas_src>

<mosaic_0001>
#map = affine_map<(d0, d1) -> (0, 0)>
#map1 = affine_map<(d0, d1) -> (0, 0, 0)>
#map2 = affine_map<(d0, d1) -> (0)>
module attributes {stable_mosaic.version = 14 : i64} {
  func.func @_sc_spmm(%arg0: i32, %arg1: i32, %arg2: memref<10000x128xf32, #tpu.memory_space<hbm>>, %arg3: memref<10000x128xf32, #tpu.memory_space<hbm>>, %arg4: memref<32x125x80xi32, #tpu.memory_space<hbm>>, %arg5: memref<320000xi32, #tpu.memory_space<hbm>>, %arg6: memref<320000xf32, #tpu.memory_space<hbm>>, %arg7: memref<10000x128xf32, #tpu.memory_space<hbm>>, %arg8: memref<10000x128xf32, #tpu.memory_space<hbm>>, %arg9: memref<125x80xi32, #tpu.memory_space<vmem>>, %arg10: memref<10000xi32, #tpu.memory_space<vmem>>, %arg11: memref<80xf32, #tpu.memory_space<vmem>>, %arg12: memref<80xf32, #tpu.memory_space<vmem>>, %arg13: memref<80x128xf32, #tpu.memory_space<vmem>>, %arg14: memref<80x128xf32, #tpu.memory_space<vmem>>, %arg15: memref<10000x128xf32, #tpu.memory_space<vmem_shared>>, %arg16: memref<!tpu.dma_semaphore, #tpu.memory_space<semaphore_mem>>, %arg17: memref<!tpu.dma_semaphore, #tpu.memory_space<semaphore_mem>>, %arg18: memref<!tpu.dma_semaphore, #tpu.memory_space<semaphore_mem>>, %arg19: memref<!tpu.dma_semaphore, #tpu.memory_space<semaphore_mem>>, %arg20: memref<!tpu.dma_semaphore, #tpu.memory_space<semaphore_mem>>, %arg21: memref<!tpu.dma_semaphore, #tpu.memory_space<semaphore_mem>>) attributes {dimension_semantics = [#tpu.dimension_semantics<core_parallel>, #tpu.dimension_semantics<subcore_parallel>], iteration_bounds = array<i64: 2, 16>, scalar_prefetch = 0 : i64, scratch_operands = 13 : i64, tpu.core_type = #tpu.core_type<sc_vector_subcore>, window_params = [{transform_indices = #map}, {transform_indices = #map}, {transform_indices = #map1}, {transform_indices = #map2}, {transform_indices = #map2}, {transform_indices = #map}, {transform_indices = #map}]} {
    %mul3A = arith.constant 16 : i32
    %mul3A_0 = arith.muli %arg0, %mul3A : i32
    %add3A = arith.addi %mul3A_0, %arg1 : i32
    %mul3A_1 = arith.constant 624 : i32
    %mul3A_2 = arith.muli %arg1, %mul3A_1 : i32
    %mul3A_3 = arith.constant 10000 : i32
    %mul3A_4 = arith.muli %add3A, %mul3A_3 : i32
    %eq3A = arith.constant 0 : i32
    %eq3A_5 = arith.cmpi eq, %arg0, %eq3A : i32
    %convert_element_type3A = arith.extui %eq3A_5 : i1 to i32
    %cond3A = arith.constant 0 : i32
    %cond3A_6 = arith.cmpi ne, %convert_element_type3A, %cond3A : i32
    scf.if %cond3A_6 {
      "tpu.region"() ({
        %run_scoped3A = tpu.sem_alloc : memref<!tpu.dma_semaphore, #tpu.memory_space<semaphore_mem>>
        %dma_start3A_46 = arith.constant 0 : i32
        %dma_start3A_47 = tpu.memref_slice %arg15[%mul3A_2, %dma_start3A_46] : memref<10000x128xf32, #tpu.memory_space<vmem_shared>> -> memref<624x128xf32, #tpu.memory_space<vmem_shared>>
        %dma_start3A_48 = arith.constant 0 : i32
        %dma_start3A_49 = tpu.memref_slice %arg3[%mul3A_2, %dma_start3A_48] : memref<10000x128xf32, #tpu.memory_space<hbm>> -> memref<624x128xf32, #tpu.memory_space<hbm>>
        tpu.enqueue_dma source(%dma_start3A_49 : memref<624x128xf32, #tpu.memory_space<hbm>>) target(%dma_start3A_47 : memref<624x128xf32, #tpu.memory_space<vmem_shared>>) target_semaphore(%run_scoped3A : memref<!tpu.dma_semaphore, #tpu.memory_space<semaphore_mem>>)
        %dma_wait3A_50 = arith.constant 0 : i32
        %dma_wait3A_51 = tpu.memref_slice %arg15[%mul3A_2, %dma_wait3A_50] : memref<10000x128xf32, #tpu.memory_space<vmem_shared>> -> memref<624x128xf32, #tpu.memory_space<vmem_shared>>
        %dma_wait3A_52 = arith.constant 0 : i32
        %dma_wait3A_53 = tpu.memref_slice %arg3[%mul3A_2, %dma_wait3A_52] : memref<10000x128xf32, #tpu.memory_space<hbm>> -> memref<624x128xf32, #tpu.memory_space<hbm>>
        tpu.wait_dma2 semaphore(%run_scoped3A : memref<!tpu.dma_semaphore, #tpu.memory_space<semaphore_mem>>) src(%dma_wait3A_53 : memref<624x128xf32, #tpu.memory_space<hbm>>) dst(%dma_wait3A_51 : memref<624x128xf32, #tpu.memory_space<vmem_shared>>)
        tpu.yield
      }) : () -> ()
      %eq3A_41 = arith.constant 0 : i32
      %eq3A_42 = arith.cmpi eq, %arg1, %eq3A_41 : i32
      %convert_element_type3A_43 = arith.extui %eq3A_42 : i1 to i32
      %cond3A_44 = arith.constant 0 : i32
      %cond3A_45 = arith.cmpi ne, %convert_element_type3A_43, %cond3A_44 : i32
      scf.if %cond3A_45 {
        "tpu.region"() ({
          %run_scoped3A = tpu.sem_alloc : memref<!tpu.dma_semaphore, #tpu.memory_space<semaphore_mem>>
          %dma_start3A_46 = arith.constant 9984 : i32
          %dma_start3A_47 = arith.constant 0 : i32
          %dma_start3A_48 = tpu.memref_slice %arg15[%dma_start3A_46, %dma_start3A_47] : memref<10000x128xf32, #tpu.memory_space<vmem_shared>> -> memref<16x128xf32, #tpu.memory_space<vmem_shared>>
          %dma_start3A_49 = arith.constant 9984 : i32
          %dma_start3A_50 = arith.constant 0 : i32
          %dma_start3A_51 = tpu.memref_slice %arg3[%dma_start3A_49, %dma_start3A_50] : memref<10000x128xf32, #tpu.memory_space<hbm>> -> memref<16x128xf32, #tpu.memory_space<hbm>>
          tpu.enqueue_dma source(%dma_start3A_51 : memref<16x128xf32, #tpu.memory_space<hbm>>) target(%dma_start3A_48 : memref<16x128xf32, #tpu.memory_space<vmem_shared>>) target_semaphore(%run_scoped3A : memref<!tpu.dma_semaphore, #tpu.memory_space<semaphore_mem>>)
          %dma_wait3A_52 = arith.constant 9984 : i32
          %dma_wait3A_53 = arith.constant 0 : i32
          %dma_wait3A_54 = tpu.memref_slice %arg15[%dma_wait3A_52, %dma_wait3A_53] : memref<10000x128xf32, #tpu.memory_space<vmem_shared>> -> memref<16x128xf32, #tpu.memory_space<vmem_shared>>
          %dma_wait3A_55 = arith.constant 9984 : i32
          %dma_wait3A_56 = arith.constant 0 : i32
          %dma_wait3A_57 = tpu.memref_slice %arg3[%dma_wait3A_55, %dma_wait3A_56] : memref<10000x128xf32, #tpu.memory_space<hbm>> -> memref<16x128xf32, #tpu.memory_space<hbm>>
          tpu.wait_dma2 semaphore(%run_scoped3A : memref<!tpu.dma_semaphore, #tpu.memory_space<semaphore_mem>>) src(%dma_wait3A_57 : memref<16x128xf32, #tpu.memory_space<hbm>>) dst(%dma_wait3A_54 : memref<16x128xf32, #tpu.memory_space<vmem_shared>>)
          tpu.yield
        }) : () -> ()
      } else {
      }
    } else {
    }
    %ne3A = arith.constant 0 : i32
    %ne3A_7 = arith.cmpi ne, %arg0, %ne3A : i32
    %convert_element_type3A_8 = arith.extui %ne3A_7 : i1 to i32
    %cond3A_9 = arith.constant 0 : i32
    %cond3A_10 = arith.cmpi ne, %convert_element_type3A_8, %cond3A_9 : i32
    scf.if %cond3A_10 {
      %scan3A_41 = arith.constant 0 : i32
      %scan3A_42 = arith.constant 0 : i32
      %scan3A_43 = arith.constant 16 : i32
      %scan3A_44 = arith.addi %scan3A_42, %scan3A_43 : i32
      %scan3A_45 = arith.constant 1 : i32
      scf.for %scan3A_58 = %scan3A_42 to %scan3A_44 step %scan3A_45  : i32 {
        %broadcast_in_dim3A = arith.constant 0.000000e+00 : f32
        %broadcast_in_dim3A_59 = vector.broadcast %broadcast_in_dim3A : f32 to vector<16xf32>
        %swap3A = arith.index_cast %scan3A_58 : i32 to index
        %swap3A_60 = arith.constant 0 : index
        %swap3A_61 = tpu.vector_load %arg13[%swap3A, %swap3A_60] {strides = array<i32>} : memref<80x128xf32, #tpu.memory_space<vmem>>, vector<16xf32>,
        tpu.vector_store %arg13[%swap3A, %swap3A_60], %broadcast_in_dim3A_59 {strides = array<i32>} : memref<80x128xf32, #tpu.memory_space<vmem>>, vector<16xf32>,
        %broadcast_in_dim3A_62 = arith.constant 0.000000e+00 : f32
        %broadcast_in_dim3A_63 = vector.broadcast %broadcast_in_dim3A_62 : f32 to vector<16xf32>
        %swap3A_64 = arith.index_cast %scan3A_58 : i32 to index
        %swap3A_65 = arith.constant 16 : index
        %swap3A_66 = tpu.vector_load %arg13[%swap3A_64, %swap3A_65] {strides = array<i32>} : memref<80x128xf32, #tpu.memory_space<vmem>>, vector<16xf32>,
        tpu.vector_store %arg13[%swap3A_64, %swap3A_65], %broadcast_in_dim3A_63 {strides = array<i32>} : memref<80x128xf32, #tpu.memory_space<vmem>>, vector<16xf32>,
        %broadcast_in_dim3A_67 = arith.constant 0.000000e+00 : f32
        %broadcast_in_dim3A_68 = vector.broadcast %broadcast_in_dim3A_67 : f32 to vector<16xf32>
        %swap3A_69 = arith.index_cast %scan3A_58 : i32 to index
        %swap3A_70 = arith.constant 32 : index
        %swap3A_71 = tpu.vector_load %arg13[%swap3A_69, %swap3A_70] {strides = array<i32>} : memref<80x128xf32, #tpu.memory_space<vmem>>, vector<16xf32>,
        tpu.vector_store %arg13[%swap3A_69, %swap3A_70], %broadcast_in_dim3A_68 {strides = array<i32>} : memref<80x128xf32, #tpu.memory_space<vmem>>, vector<16xf32>,
        %broadcast_in_dim3A_72 = arith.constant 0.000000e+00 : f32
        %broadcast_in_dim3A_73 = vector.broadcast %broadcast_in_dim3A_72 : f32 to vector<16xf32>
        %swap3A_74 = arith.index_cast %scan3A_58 : i32 to index
        %swap3A_75 = arith.constant 48 : index
        %swap3A_76 = tpu.vector_load %arg13[%swap3A_74, %swap3A_75] {strides = array<i32>} : memref<80x128xf32, #tpu.memory_space<vmem>>, vector<16xf32>,
        tpu.vector_store %arg13[%swap3A_74, %swap3A_75], %broadcast_in_dim3A_73 {strides = array<i32>} : memref<80x128xf32, #tpu.memory_space<vmem>>, vector<16xf32>,
        %broadcast_in_dim3A_77 = arith.constant 0.000000e+00 : f32
        %broadcast_in_dim3A_78 = vector.broadcast %broadcast_in_dim3A_77 : f32 to vector<16xf32>
        %swap3A_79 = arith.index_cast %scan3A_58 : i32 to index
        %swap3A_80 = arith.constant 64 : index
        %swap3A_81 = tpu.vector_load %arg13[%swap3A_79, %swap3A_80] {strides = array<i32>} : memref<80x128xf32, #tpu.memory_space<vmem>>, vector<16xf32>,
        tpu.vector_store %arg13[%swap3A_79, %swap3A_80], %broadcast_in_dim3A_78 {strides = array<i32>} : memref<80x128xf32, #tpu.memory_space<vmem>>, vector<16xf32>,
        %broadcast_in_dim3A_82 = arith.constant 0.000000e+00 : f32
        %broadcast_in_dim3A_83 = vector.broadcast %broadcast_in_dim3A_82 : f32 to vector<16xf32>
        %swap3A_84 = arith.index_cast %scan3A_58 : i32 to index
        %swap3A_85 = arith.constant 80 : index
        %swap3A_86 = tpu.vector_load %arg13[%swap3A_84, %swap3A_85] {strides = array<i32>} : memref<80x128xf32, #tpu.memory_space<vmem>>, vector<16xf32>,
        tpu.vector_store %arg13[%swap3A_84, %swap3A_85], %broadcast_in_dim3A_83 {strides = array<i32>} : memref<80x128xf32, #tpu.memory_space<vmem>>, vector<16xf32>,
        %broadcast_in_dim3A_87 = arith.constant 0.000000e+00 : f32
        %broadcast_in_dim3A_88 = vector.broadcast %broadcast_in_dim3A_87 : f32 to vector<16xf32>
        %swap3A_89 = arith.index_cast %scan3A_58 : i32 to index
        %swap3A_90 = arith.constant 96 : index
        %swap3A_91 = tpu.vector_load %arg13[%swap3A_89, %swap3A_90] {strides = array<i32>} : memref<80x128xf32, #tpu.memory_space<vmem>>, vector<16xf32>,
        tpu.vector_store %arg13[%swap3A_89, %swap3A_90], %broadcast_in_dim3A_88 {strides = array<i32>} : memref<80x128xf32, #tpu.memory_space<vmem>>, vector<16xf32>,
        %broadcast_in_dim3A_92 = arith.constant 0.000000e+00 : f32
        %broadcast_in_dim3A_93 = vector.broadcast %broadcast_in_dim3A_92 : f32 to vector<16xf32>
        %swap3A_94 = arith.index_cast %scan3A_58 : i32 to index
        %swap3A_95 = arith.constant 112 : index
        %swap3A_96 = tpu.vector_load %arg13[%swap3A_94, %swap3A_95] {strides = array<i32>} : memref<80x128xf32, #tpu.memory_space<vmem>>, vector<16xf32>,
        tpu.vector_store %arg13[%swap3A_94, %swap3A_95], %broadcast_in_dim3A_93 {strides = array<i32>} : memref<80x128xf32, #tpu.memory_space<vmem>>, vector<16xf32>,
      }
      %scan3A_46 = arith.constant 16 : i32
      %scan3A_47 = arith.constant 0 : i32
      %scan3A_48 = arith.constant 0 : i32
      %scan3A_49 = arith.constant 39 : i32
      %scan3A_50 = arith.addi %scan3A_48, %scan3A_49 : i32
      %scan3A_51 = arith.constant 1 : i32
      scf.for %scan3A_58 = %scan3A_48 to %scan3A_50 step %scan3A_51  : i32 {
        %mul3A_59 = arith.constant 16 : i32
        %mul3A_60 = arith.muli %scan3A_58, %mul3A_59 : i32
        %add3A_61 = arith.addi %mul3A_2, %mul3A_60 : i32
        "tpu.region"() ({
          %run_scoped3A = tpu.sem_alloc : memref<!tpu.dma_semaphore, #tpu.memory_space<semaphore_mem>>
          %dma_start3A_62 = arith.constant 0 : i32
          %dma_start3A_63 = arith.constant 0 : i32
          %dma_start3A_64 = tpu.memref_slice %arg13[%dma_start3A_62, %dma_start3A_63] : memref<80x128xf32, #tpu.memory_space<vmem>> -> memref<16x128xf32, #tpu.memory_space<vmem>>
          %dma_start3A_65 = arith.constant 0 : i32
          %dma_start3A_66 = tpu.memref_slice %arg15[%add3A_61, %dma_start3A_65] : memref<10000x128xf32, #tpu.memory_space<vmem_shared>> -> memref<16x128xf32, #tpu.memory_space<vmem_shared>>
          %dma_start3A_67 = arith.constant 0 : i32
          %dma_start3A_68 = tpu.memref_slice %arg15[%add3A_61, %dma_start3A_67] : memref<10000x128xf32, #tpu.memory_space<vmem_shared>> -> memref<16x128xf32, #tpu.memory_space<vmem_shared>>
          %dma_start3A_69 = arith.constant 0 : i32
          %dma_start3A_70 = arith.constant 0 : i32
          %dma_start3A_71 = tpu.memref_slice %arg13[%dma_start3A_69, %dma_start3A_70] : memref<80x128xf32, #tpu.memory_space<vmem>> -> memref<16x128xf32, #tpu.memory_space<vmem>>
          tpu.enqueue_dma source(%dma_start3A_71 : memref<16x128xf32, #tpu.memory_space<vmem>>) target(%dma_start3A_68 : memref<16x128xf32, #tpu.memory_space<vmem_shared>>) target_semaphore(%run_scoped3A : memref<!tpu.dma_semaphore, #tpu.memory_space<semaphore_mem>>)
          %dma_wait3A_72 = arith.constant 0 : i32
          %dma_wait3A_73 = arith.constant 0 : i32
          %dma_wait3A_74 = tpu.memref_slice %arg13[%dma_wait3A_72, %dma_wait3A_73] : memref<80x128xf32, #tpu.memory_space<vmem>> -> memref<16x128xf32, #tpu.memory_space<vmem>>
          %dma_wait3A_75 = arith.constant 0 : i32
          %dma_wait3A_76 = tpu.memref_slice %arg15[%add3A_61, %dma_wait3A_75] : memref<10000x128xf32, #tpu.memory_space<vmem_shared>> -> memref<16x128xf32, #tpu.memory_space<vmem_shared>>
          %dma_wait3A_77 = arith.constant 0 : i32
          %dma_wait3A_78 = tpu.memref_slice %arg15[%add3A_61, %dma_wait3A_77] : memref<10000x128xf32, #tpu.memory_space<vmem_shared>> -> memref<16x128xf32, #tpu.memory_space<vmem_shared>>
          %dma_wait3A_79 = arith.constant 0 : i32
          %dma_wait3A_80 = arith.constant 0 : i32
          %dma_wait3A_81 = tpu.memref_slice %arg13[%dma_wait3A_79, %dma_wait3A_80] : memref<80x128xf32, #tpu.memory_space<vmem>> -> memref<16x128xf32, #tpu.memory_space<vmem>>
          tpu.wait_dma2 semaphore(%run_scoped3A : memref<!tpu.dma_semaphore, #tpu.memory_space<semaphore_mem>>) src(%dma_wait3A_81 : memref<16x128xf32, #tpu.memory_space<vmem>>) dst(%dma_wait3A_78 : memref<16x128xf32, #tpu.memory_space<vmem_shared>>)
          tpu.yield
        }) : () -> ()
      }
      %scan3A_52 = arith.constant 39 : i32
      %eq3A_53 = arith.constant 0 : i32
      %eq3A_54 = arith.cmpi eq, %arg1, %eq3A_53 : i32
      %convert_element_type3A_55 = arith.extui %eq3A_54 : i1 to i32
      %cond3A_56 = arith.constant 0 : i32
      %cond3A_57 = arith.cmpi ne, %convert_element_type3A_55, %cond3A_56 : i32
      scf.if %cond3A_57 {
        "tpu.region"() ({
          %run_scoped3A = tpu.sem_alloc : memref<!tpu.dma_semaphore, #tpu.memory_space<semaphore_mem>>
          %dma_start3A_58 = arith.constant 0 : i32
          %dma_start3A_59 = arith.constant 0 : i32
          %dma_start3A_60 = tpu.memref_slice %arg13[%dma_start3A_58, %dma_start3A_59] : memref<80x128xf32, #tpu.memory_space<vmem>> -> memref<16x128xf32, #tpu.memory_space<vmem>>
          %dma_start3A_61 = arith.constant 9984 : i32
          %dma_start3A_62 = arith.constant 0 : i32
          %dma_start3A_63 = tpu.memref_slice %arg15[%dma_start3A_61, %dma_start3A_62] : memref<10000x128xf32, #tpu.memory_space<vmem_shared>> -> memref<16x128xf32, #tpu.memory_space<vmem_shared>>
          %dma_start3A_64 = arith.constant 9984 : i32
          %dma_start3A_65 = arith.constant 0 : i32
          %dma_start3A_66 = tpu.memref_slice %arg15[%dma_start3A_64, %dma_start3A_65] : memref<10000x128xf32, #tpu.memory_space<vmem_shared>> -> memref<16x128xf32, #tpu.memory_space<vmem_shared>>
          %dma_start3A_67 = arith.constant 0 : i32
          %dma_start3A_68 = arith.constant 0 : i32
          %dma_start3A_69 = tpu.memref_slice %arg13[%dma_start3A_67, %dma_start3A_68] : memref<80x128xf32, #tpu.memory_space<vmem>> -> memref<16x128xf32, #tpu.memory_space<vmem>>
          tpu.enqueue_dma source(%dma_start3A_69 : memref<16x128xf32, #tpu.memory_space<vmem>>) target(%dma_start3A_66 : memref<16x128xf32, #tpu.memory_space<vmem_shared>>) target_semaphore(%run_scoped3A : memref<!tpu.dma_semaphore, #tpu.memory_space<semaphore_mem>>)
          %dma_wait3A_70 = arith.constant 0 : i32
          %dma_wait3A_71 = arith.constant 0 : i32
          %dma_wait3A_72 = tpu.memref_slice %arg13[%dma_wait3A_70, %dma_wait3A_71] : memref<80x128xf32, #tpu.memory_space<vmem>> -> memref<16x128xf32, #tpu.memory_space<vmem>>
          %dma_wait3A_73 = arith.constant 9984 : i32
          %dma_wait3A_74 = arith.constant 0 : i32
          %dma_wait3A_75 = tpu.memref_slice %arg15[%dma_wait3A_73, %dma_wait3A_74] : memref<10000x128xf32, #tpu.memory_space<vmem_shared>> -> memref<16x128xf32, #tpu.memory_space<vmem_shared>>
          %dma_wait3A_76 = arith.constant 9984 : i32
          %dma_wait3A_77 = arith.constant 0 : i32
          %dma_wait3A_78 = tpu.memref_slice %arg15[%dma_wait3A_76, %dma_wait3A_77] : memref<10000x128xf32, #tpu.memory_space<vmem_shared>> -> memref<16x128xf32, #tpu.memory_space<vmem_shared>>
          %dma_wait3A_79 = arith.constant 0 : i32
          %dma_wait3A_80 = arith.constant 0 : i32
          %dma_wait3A_81 = tpu.memref_slice %arg13[%dma_wait3A_79, %dma_wait3A_80] : memref<80x128xf32, #tpu.memory_space<vmem>> -> memref<16x128xf32, #tpu.memory_space<vmem>>
          tpu.wait_dma2 semaphore(%run_scoped3A : memref<!tpu.dma_semaphore, #tpu.memory_space<semaphore_mem>>) src(%dma_wait3A_81 : memref<16x128xf32, #tpu.memory_space<vmem>>) dst(%dma_wait3A_78 : memref<16x128xf32, #tpu.memory_space<vmem_shared>>)
          tpu.yield
        }) : () -> ()
      } else {
      }
    } else {
    }
    "tpu.region"() ({
      %run_scoped3A = tpu.sem_alloc : memref<!tpu.dma_semaphore, #tpu.memory_space<semaphore_mem>>
      %dma_start3A_41 = arith.constant 0 : i32
      %dma_start3A_42 = arith.constant 0 : i32
      %dma_start3A_43 = tpu.memref_slice %arg4[%add3A, %dma_start3A_41, %dma_start3A_42] : memref<32x125x80xi32, #tpu.memory_space<hbm>> -> memref<1x125x80xi32, #tpu.memory_space<hbm>>
      %dma_start3A_44 = tpu.memref_squeeze %dma_start3A_43 : memref<1x125x80xi32, #tpu.memory_space<hbm>> -> memref<125x80xi32, #tpu.memory_space<hbm>>
      %dma_start3A_45 = arith.constant 0 : i32
      %dma_start3A_46 = arith.constant 0 : i32
      %dma_start3A_47 = tpu.memref_slice %arg4[%add3A, %dma_start3A_45, %dma_start3A_46] : memref<32x125x80xi32, #tpu.memory_space<hbm>> -> memref<1x125x80xi32, #tpu.memory_space<hbm>>
      %dma_start3A_48 = tpu.memref_squeeze %dma_start3A_47 : memref<1x125x80xi32, #tpu.memory_space<hbm>> -> memref<125x80xi32, #tpu.memory_space<hbm>>
      tpu.enqueue_dma source(%dma_start3A_48 : memref<125x80xi32, #tpu.memory_space<hbm>>) target(%arg9 : memref<125x80xi32, #tpu.memory_space<vmem>>) target_semaphore(%run_scoped3A : memref<!tpu.dma_semaphore, #tpu.memory_space<semaphore_mem>>)
      %dma_wait3A_49 = arith.constant 0 : i32
      %dma_wait3A_50 = arith.constant 0 : i32
      %dma_wait3A_51 = tpu.memref_slice %arg4[%add3A, %dma_wait3A_49, %dma_wait3A_50] : memref<32x125x80xi32, #tpu.memory_space<hbm>> -> memref<1x125x80xi32, #tpu.memory_space<hbm>>
      %dma_wait3A_52 = tpu.memref_squeeze %dma_wait3A_51 : memref<1x125x80xi32, #tpu.memory_space<hbm>> -> memref<125x80xi32, #tpu.memory_space<hbm>>
      %dma_wait3A_53 = arith.constant 0 : i32
      %dma_wait3A_54 = arith.constant 0 : i32
      %dma_wait3A_55 = tpu.memref_slice %arg4[%add3A, %dma_wait3A_53, %dma_wait3A_54] : memref<32x125x80xi32, #tpu.memory_space<hbm>> -> memref<1x125x80xi32, #tpu.memory_space<hbm>>
      %dma_wait3A_56 = tpu.memref_squeeze %dma_wait3A_55 : memref<1x125x80xi32, #tpu.memory_space<hbm>> -> memref<125x80xi32, #tpu.memory_space<hbm>>
      tpu.wait_dma2 semaphore(%run_scoped3A : memref<!tpu.dma_semaphore, #tpu.memory_space<semaphore_mem>>) src(%dma_wait3A_56 : memref<125x80xi32, #tpu.memory_space<hbm>>) dst(%arg9 : memref<125x80xi32, #tpu.memory_space<vmem>>)
      tpu.yield
    }) : () -> ()
    "tpu.region"() ({
      %run_scoped3A = tpu.sem_alloc : memref<!tpu.dma_semaphore, #tpu.memory_space<semaphore_mem>>
      %dma_start3A_41 = tpu.memref_slice %arg5[%mul3A_4] : memref<320000xi32, #tpu.memory_space<hbm>> -> memref<10000xi32, #tpu.memory_space<hbm>>
      %dma_start3A_42 = tpu.memref_slice %arg5[%mul3A_4] : memref<320000xi32, #tpu.memory_space<hbm>> -> memref<10000xi32, #tpu.memory_space<hbm>>
      tpu.enqueue_dma source(%dma_start3A_42 : memref<10000xi32, #tpu.memory_space<hbm>>) target(%arg10 : memref<10000xi32, #tpu.memory_space<vmem>>) target_semaphore(%run_scoped3A : memref<!tpu.dma_semaphore, #tpu.memory_space<semaphore_mem>>)
      %dma_wait3A_43 = tpu.memref_slice %arg5[%mul3A_4] : memref<320000xi32, #tpu.memory_space<hbm>> -> memref<10000xi32, #tpu.memory_space<hbm>>
      %dma_wait3A_44 = tpu.memref_slice %arg5[%mul3A_4] : memref<320000xi32, #tpu.memory_space<hbm>> -> memref<10000xi32, #tpu.memory_space<hbm>>
      tpu.wait_dma2 semaphore(%run_scoped3A : memref<!tpu.dma_semaphore, #tpu.memory_space<semaphore_mem>>) src(%dma_wait3A_44 : memref<10000xi32, #tpu.memory_space<hbm>>) dst(%arg10 : memref<10000xi32, #tpu.memory_space<vmem>>)
      tpu.yield
    }) : () -> ()
    %barrier3A = arith.constant 0 : index
    tpu.barrier barrier_id(%barrier3A)
    %dma_start3A = arith.constant 0 : i32
    %dma_start3A_11 = tpu.memref_slice %arg10[%dma_start3A] : memref<10000xi32, #tpu.memory_space<vmem>> -> memref<80xi32, #tpu.memory_space<vmem>>
    %dma_start3A_12 = arith.constant 0 : i32
    %dma_start3A_13 = arith.constant 0 : i32
    %dma_start3A_14 = tpu.memref_slice %arg2[%dma_start3A_12, %dma_start3A_13] : memref<10000x128xf32, #tpu.memory_space<hbm>> -> memref<10000x128xf32, #tpu.memory_space<hbm>>
    tpu.enqueue_indirect_dma source(%dma_start3A_14 : memref<10000x128xf32, #tpu.memory_space<hbm>>) target(%arg13 : memref<80x128xf32, #tpu.memory_space<vmem>>) offsets(%dma_start3A_11 : memref<80xi32, #tpu.memory_space<vmem>>) semaphore(%arg16 : memref<!tpu.dma_semaphore, #tpu.memory_space<semaphore_mem>>)
    %add3A_15 = arith.constant 0 : i32
    %add3A_16 = arith.addi %mul3A_4, %add3A_15 : i32
    %dma_start3A_17 = tpu.memref_slice %arg6[%add3A_16] : memref<320000xf32, #tpu.memory_space<hbm>> -> memref<80xf32, #tpu.memory_space<hbm>>
    %dma_start3A_18 = tpu.memref_slice %arg6[%add3A_16] : memref<320000xf32, #tpu.memory_space<hbm>> -> memref<80xf32, #tpu.memory_space<hbm>>
    tpu.enqueue_dma source(%dma_start3A_18 : memref<80xf32, #tpu.memory_space<hbm>>) target(%arg11 : memref<80xf32, #tpu.memory_space<vmem>>) target_semaphore(%arg20 : memref<!tpu.dma_semaphore, #tpu.memory_space<semaphore_mem>>)
    %scan3A = arith.constant 0 : i32
    %scan3A_19 = arith.constant 0 : i32
    %scan3A_20 = arith.constant 63 : i32
    %scan3A_21 = arith.addi %scan3A_19, %scan3A_20 : i32
    %scan3A_22 = arith.constant 1 : i32
    scf.for %scan3A_41 = %scan3A_19 to %scan3A_21 step %scan3A_22  : i32 {
      %mul3A_42 = arith.constant 2 : i32
      %mul3A_43 = arith.muli %mul3A_42, %scan3A_41 : i32
      %ge3A = arith.constant 1 : i32
      %ge3A_44 = arith.cmpi sge, %mul3A_43, %ge3A : i32
      %convert_element_type3A_45 = arith.extui %ge3A_44 : i1 to i32
      %cond3A_46 = arith.constant 0 : i32
      %cond3A_47 = arith.cmpi ne, %convert_element_type3A_45, %cond3A_46 : i32
      scf.if %cond3A_47 {
        %sub3A = arith.constant 1 : i32
        %sub3A_80 = arith.subi %mul3A_43, %sub3A : i32
        %dma_wait3A_81 = arith.constant 0 : i32
        %dma_wait3A_82 = tpu.memref_slice %arg9[%sub3A_80, %dma_wait3A_81] : memref<125x80xi32, #tpu.memory_space<vmem>> -> memref<1x80xi32, #tpu.memory_space<vmem>>
        %dma_wait3A_83 = tpu.memref_squeeze %dma_wait3A_82 : memref<1x80xi32, #tpu.memory_space<vmem>> -> memref<80xi32, #tpu.memory_space<vmem>>
        %dma_wait3A_84 = arith.constant 0 : i32
        %dma_wait3A_85 = arith.constant 0 : i32
        %dma_wait3A_86 = tpu.memref_slice %arg15[%dma_wait3A_84, %dma_wait3A_85] : memref<10000x128xf32, #tpu.memory_space<vmem_shared>> -> memref<10000x128xf32, #tpu.memory_space<vmem_shared>>
        tpu.wait_indirect_dma semaphore(%arg19 : memref<!tpu.dma_semaphore, #tpu.memory_space<semaphore_mem>>) src(%arg14 : memref<80x128xf32, #tpu.memory_space<vmem>>) dst(%dma_wait3A_86 : memref<10000x128xf32, #tpu.memory_space<vmem_shared>>)
      } else {
      }
      %add3A_48 = arith.constant 1 : i32
      %add3A_49 = arith.addi %mul3A_43, %add3A_48 : i32
      %lt3A = arith.constant 125 : i32
      %lt3A_50 = arith.cmpi slt, %add3A_49, %lt3A : i32
      %convert_element_type3A_51 = arith.extui %lt3A_50 : i1 to i32
      %cond3A_52 = arith.constant 0 : i32
      %cond3A_53 = arith.cmpi ne, %convert_element_type3A_51, %cond3A_52 : i32
      scf.if %cond3A_53 {
        %add3A_80 = arith.constant 1 : i32
        %add3A_81 = arith.addi %mul3A_43, %add3A_80 : i32
        %mul3A_82 = arith.constant 80 : i32
        %mul3A_83 = arith.muli %add3A_81, %mul3A_82 : i32
        %dma_start3A_84 = tpu.memref_slice %arg10[%mul3A_83] : memref<10000xi32, #tpu.memory_space<vmem>> -> memref<80xi32, #tpu.memory_space<vmem>>
        %dma_start3A_85 = arith.constant 0 : i32
        %dma_start3A_86 = arith.constant 0 : i32
        %dma_start3A_87 = tpu.memref_slice %arg2[%dma_start3A_85, %dma_start3A_86] : memref<10000x128xf32, #tpu.memory_space<hbm>> -> memref<10000x128xf32, #tpu.memory_space<hbm>>
        tpu.enqueue_indirect_dma source(%dma_start3A_87 : memref<10000x128xf32, #tpu.memory_space<hbm>>) target(%arg14 : memref<80x128xf32, #tpu.memory_space<vmem>>) offsets(%dma_start3A_84 : memref<80xi32, #tpu.memory_space<vmem>>) semaphore(%arg17 : memref<!tpu.dma_semaphore, #tpu.memory_space<semaphore_mem>>)
        %mul3A_88 = arith.constant 80 : i32
        %mul3A_89 = arith.muli %add3A_81, %mul3A_88 : i32
        %add3A_90 = arith.addi %mul3A_4, %mul3A_89 : i32
        %dma_start3A_91 = tpu.memref_slice %arg6[%add3A_90] : memref<320000xf32, #tpu.memory_space<hbm>> -> memref<80xf32, #tpu.memory_space<hbm>>
        %dma_start3A_92 = tpu.memref_slice %arg6[%add3A_90] : memref<320000xf32, #tpu.memory_space<hbm>> -> memref<80xf32, #tpu.memory_space<hbm>>
        tpu.enqueue_dma source(%dma_start3A_92 : memref<80xf32, #tpu.memory_space<hbm>>) target(%arg12 : memref<80xf32, #tpu.memory_space<vmem>>) target_semaphore(%arg21 : memref<!tpu.dma_semaphore, #tpu.memory_space<semaphore_mem>>)
      } else {
      }
      %mul3A_54 = arith.constant 80 : i32
      %mul3A_55 = arith.muli %mul3A_43, %mul3A_54 : i32
      %dma_wait3A_56 = tpu.memref_slice %arg10[%mul3A_55] : memref<10000xi32, #tpu.memory_space<vmem>> -> memref<80xi32, #tpu.memory_space<vmem>>
      %dma_wait3A_57 = arith.constant 0 : i32
      %dma_wait3A_58 = arith.constant 0 : i32
      %dma_wait3A_59 = tpu.memref_slice %arg2[%dma_wait3A_57, %dma_wait3A_58] : memref<10000x128xf32, #tpu.memory_space<hbm>> -> memref<10000x128xf32, #tpu.memory_space<hbm>>
      tpu.wait_indirect_dma semaphore(%arg16 : memref<!tpu.dma_semaphore, #tpu.memory_space<semaphore_mem>>) src(%dma_wait3A_59 : memref<10000x128xf32, #tpu.memory_space<hbm>>) dst(%arg13 : memref<80x128xf32, #tpu.memory_space<vmem>>)
      %mul3A_60 = arith.constant 80 : i32
      %mul3A_61 = arith.muli %mul3A_43, %mul3A_60 : i32
      %add3A_62 = arith.addi %mul3A_4, %mul3A_61 : i32
      %dma_wait3A_63 = tpu.memref_slice %arg6[%add3A_62] : memref<320000xf32, #tpu.memory_space<hbm>> -> memref<80xf32, #tpu.memory_space<hbm>>
      %dma_wait3A_64 = tpu.memref_slice %arg6[%add3A_62] : memref<320000xf32, #tpu.memory_space<hbm>> -> memref<80xf32, #tpu.memory_space<hbm>>
      tpu.wait_dma2 semaphore(%arg20 : memref<!tpu.dma_semaphore, #tpu.memory_space<semaphore_mem>>) src(%dma_wait3A_64 : memref<80xf32, #tpu.memory_space<hbm>>) dst(%arg11 : memref<80xf32, #tpu.memory_space<vmem>>)
      %parallel_loop3A = arith.constant 0 : i32
      %parallel_loop3A_65 = arith.constant 80 : i32
      %parallel_loop3A_66 = arith.constant 1 : i32
      scf.for %parallel_loop3A_80 = %parallel_loop3A to %parallel_loop3A_65 step %parallel_loop3A_66  : i32 {
        %parallel_loop3A_81 = vector.broadcast %parallel_loop3A_80 : i32 to vector<16xi32>
        %parallel_loop3A_82 = tpu.vector_load_idx %arg11[%parallel_loop3A_81] : memref<80xf32, #tpu.memory_space<vmem>>[vector<16xi32>], vector<16xf32>,
        %parallel_loop3A_83 = arith.constant 4.000000e-01 : f32
        %parallel_loop3A_84 = vector.broadcast %parallel_loop3A_83 : f32 to vector<16xf32>
        %parallel_loop3A_85 = arith.mulf %parallel_loop3A_82, %parallel_loop3A_84 : vector<16xf32>
        %parallel_loop3A_86 = arith.index_cast %parallel_loop3A_80 : i32 to index
        %parallel_loop3A_87 = arith.constant 0 : index
        %parallel_loop3A_88 = tpu.vector_load %arg13[%parallel_loop3A_86, %parallel_loop3A_87] {strides = array<i32>} : memref<80x128xf32, #tpu.memory_space<vmem>>, vector<16xf32>,
        %parallel_loop3A_89 = arith.mulf %parallel_loop3A_88, %parallel_loop3A_85 : vector<16xf32>
        %parallel_loop3A_90 = arith.index_cast %parallel_loop3A_80 : i32 to index
        %parallel_loop3A_91 = arith.constant 0 : index
        %parallel_loop3A_92 = tpu.vector_load %arg13[%parallel_loop3A_90, %parallel_loop3A_91] {strides = array<i32>} : memref<80x128xf32, #tpu.memory_space<vmem>>, vector<16xf32>,
        tpu.vector_store %arg13[%parallel_loop3A_90, %parallel_loop3A_91], %parallel_loop3A_89 {strides = array<i32>} : memref<80x128xf32, #tpu.memory_space<vmem>>, vector<16xf32>,
        %parallel_loop3A_93 = arith.index_cast %parallel_loop3A_80 : i32 to index
        %parallel_loop3A_94 = arith.constant 16 : index
        %parallel_loop3A_95 = tpu.vector_load %arg13[%parallel_loop3A_93, %parallel_loop3A_94] {strides = array<i32>} : memref<80x128xf32, #tpu.memory_space<vmem>>, vector<16xf32>,
        %parallel_loop3A_96 = arith.mulf %parallel_loop3A_95, %parallel_loop3A_85 : vector<16xf32>
        %parallel_loop3A_97 = arith.index_cast %parallel_loop3A_80 : i32 to index
        %parallel_loop3A_98 = arith.constant 16 : index
        %parallel_loop3A_99 = tpu.vector_load %arg13[%parallel_loop3A_97, %parallel_loop3A_98] {strides = array<i32>} : memref<80x128xf32, #tpu.memory_space<vmem>>, vector<16xf32>,
        tpu.vector_store %arg13[%parallel_loop3A_97, %parallel_loop3A_98], %parallel_loop3A_96 {strides = array<i32>} : memref<80x128xf32, #tpu.memory_space<vmem>>, vector<16xf32>,
        %parallel_loop3A_100 = arith.index_cast %parallel_loop3A_80 : i32 to index
        %parallel_loop3A_101 = arith.constant 32 : index
        %parallel_loop3A_102 = tpu.vector_load %arg13[%parallel_loop3A_100, %parallel_loop3A_101] {strides = array<i32>} : memref<80x128xf32, #tpu.memory_space<vmem>>, vector<16xf32>,
        %parallel_loop3A_103 = arith.mulf %parallel_loop3A_102, %parallel_loop3A_85 : vector<16xf32>
        %parallel_loop3A_104 = arith.index_cast %parallel_loop3A_80 : i32 to index
        %parallel_loop3A_105 = arith.constant 32 : index
        %parallel_loop3A_106 = tpu.vector_load %arg13[%parallel_loop3A_104, %parallel_loop3A_105] {strides = array<i32>} : memref<80x128xf32, #tpu.memory_space<vmem>>, vector<16xf32>,
        tpu.vector_store %arg13[%parallel_loop3A_104, %parallel_loop3A_105], %parallel_loop3A_103 {strides = array<i32>} : memref<80x128xf32, #tpu.memory_space<vmem>>, vector<16xf32>,
        %parallel_loop3A_107 = arith.index_cast %parallel_loop3A_80 : i32 to index
        %parallel_loop3A_108 = arith.constant 48 : index
        %parallel_loop3A_109 = tpu.vector_load %arg13[%parallel_loop3A_107, %parallel_loop3A_108] {strides = array<i32>} : memref<80x128xf32, #tpu.memory_space<vmem>>, vector<16xf32>,
        %parallel_loop3A_110 = arith.mulf %parallel_loop3A_109, %parallel_loop3A_85 : vector<16xf32>
        %parallel_loop3A_111 = arith.index_cast %parallel_loop3A_80 : i32 to index
        %parallel_loop3A_112 = arith.constant 48 : index
        %parallel_loop3A_113 = tpu.vector_load %arg13[%parallel_loop3A_111, %parallel_loop3A_112] {strides = array<i32>} : memref<80x128xf32, #tpu.memory_space<vmem>>, vector<16xf32>,
        tpu.vector_store %arg13[%parallel_loop3A_111, %parallel_loop3A_112], %parallel_loop3A_110 {strides = array<i32>} : memref<80x128xf32, #tpu.memory_space<vmem>>, vector<16xf32>,
        %parallel_loop3A_114 = arith.index_cast %parallel_loop3A_80 : i32 to index
        %parallel_loop3A_115 = arith.constant 64 : index
        %parallel_loop3A_116 = tpu.vector_load %arg13[%parallel_loop3A_114, %parallel_loop3A_115] {strides = array<i32>} : memref<80x128xf32, #tpu.memory_space<vmem>>, vector<16xf32>,
        %parallel_loop3A_117 = arith.mulf %parallel_loop3A_116, %parallel_loop3A_85 : vector<16xf32>
        %parallel_loop3A_118 = arith.index_cast %parallel_loop3A_80 : i32 to index
        %parallel_loop3A_119 = arith.constant 64 : index
        %parallel_loop3A_120 = tpu.vector_load %arg13[%parallel_loop3A_118, %parallel_loop3A_119] {strides = array<i32>} : memref<80x128xf32, #tpu.memory_space<vmem>>, vector<16xf32>,
        tpu.vector_store %arg13[%parallel_loop3A_118, %parallel_loop3A_119], %parallel_loop3A_117 {strides = array<i32>} : memref<80x128xf32, #tpu.memory_space<vmem>>, vector<16xf32>,
        %parallel_loop3A_121 = arith.index_cast %parallel_loop3A_80 : i32 to index
        %parallel_loop3A_122 = arith.constant 80 : index
        %parallel_loop3A_123 = tpu.vector_load %arg13[%parallel_loop3A_121, %parallel_loop3A_122] {strides = array<i32>} : memref<80x128xf32, #tpu.memory_space<vmem>>, vector<16xf32>,
        %parallel_loop3A_124 = arith.mulf %parallel_loop3A_123, %parallel_loop3A_85 : vector<16xf32>
        %parallel_loop3A_125 = arith.index_cast %parallel_loop3A_80 : i32 to index
        %parallel_loop3A_126 = arith.constant 80 : index
        %parallel_loop3A_127 = tpu.vector_load %arg13[%parallel_loop3A_125, %parallel_loop3A_126] {strides = array<i32>} : memref<80x128xf32, #tpu.memory_space<vmem>>, vector<16xf32>,
        tpu.vector_store %arg13[%parallel_loop3A_125, %parallel_loop3A_126], %parallel_loop3A_124 {strides = array<i32>} : memref<80x128xf32, #tpu.memory_space<vmem>>, vector<16xf32>,
        %parallel_loop3A_128 = arith.index_cast %parallel_loop3A_80 : i32 to index
        %parallel_loop3A_129 = arith.constant 96 : index
        %parallel_loop3A_130 = tpu.vector_load %arg13[%parallel_loop3A_128, %parallel_loop3A_129] {strides = array<i32>} : memref<80x128xf32, #tpu.memory_space<vmem>>, vector<16xf32>,
        %parallel_loop3A_131 = arith.mulf %parallel_loop3A_130, %parallel_loop3A_85 : vector<16xf32>
        %parallel_loop3A_132 = arith.index_cast %parallel_loop3A_80 : i32 to index
        %parallel_loop3A_133 = arith.constant 96 : index
        %parallel_loop3A_134 = tpu.vector_load %arg13[%parallel_loop3A_132, %parallel_loop3A_133] {strides = array<i32>} : memref<80x128xf32, #tpu.memory_space<vmem>>, vector<16xf32>,
        tpu.vector_store %arg13[%parallel_loop3A_132, %parallel_loop3A_133], %parallel_loop3A_131 {strides = array<i32>} : memref<80x128xf32, #tpu.memory_space<vmem>>, vector<16xf32>,
        %parallel_loop3A_135 = arith.index_cast %parallel_loop3A_80 : i32 to index
        %parallel_loop3A_136 = arith.constant 112 : index
        %parallel_loop3A_137 = tpu.vector_load %arg13[%parallel_loop3A_135, %parallel_loop3A_136] {strides = array<i32>} : memref<80x128xf32, #tpu.memory_space<vmem>>, vector<16xf32>,
        %parallel_loop3A_138 = arith.mulf %parallel_loop3A_137, %parallel_loop3A_85 : vector<16xf32>
        %parallel_loop3A_139 = arith.index_cast %parallel_loop3A_80 : i32 to index
        %parallel_loop3A_140 = arith.constant 112 : index
        %parallel_loop3A_141 = tpu.vector_load %arg13[%parallel_loop3A_139, %parallel_loop3A_140] {strides = array<i32>} : memref<80x128xf32, #tpu.memory_space<vmem>>, vector<16xf32>,
        tpu.vector_store %arg13[%parallel_loop3A_139, %parallel_loop3A_140], %parallel_loop3A_138 {strides = array<i32>} : memref<80x128xf32, #tpu.memory_space<vmem>>, vector<16xf32>,
      } {sc.loop_unroll_factor = 2 : i64, sc.parallel_access}
      %dma_start3A_67 = arith.constant 0 : i32
      %dma_start3A_68 = tpu.memref_slice %arg9[%mul3A_43, %dma_start3A_67] : memref<125x80xi32, #tpu.memory_space<vmem>> -> memref<1x80xi32, #tpu.memory_space<vmem>>
      %dma_start3A_69 = tpu.memref_squeeze %dma_start3A_68 : memref<1x80xi32, #tpu.memory_space<vmem>> -> memref<80xi32, #tpu.memory_space<vmem>>
      %dma_start3A_70 = arith.constant 0 : i32
      %dma_start3A_71 = arith.constant 0 : i32
      %dma_start3A_72 = tpu.memref_slice %arg15[%dma_start3A_70, %dma_start3A_71] : memref<10000x128xf32, #tpu.memory_space<vmem_shared>> -> memref<10000x128xf32, #tpu.memory_space<vmem_shared>>
      tpu.enqueue_indirect_dma source(%arg13 : memref<80x128xf32, #tpu.memory_space<vmem>>) target(%dma_start3A_72 : memref<10000x128xf32, #tpu.memory_space<vmem_shared>>) offsets(%dma_start3A_69 : memref<80xi32, #tpu.memory_space<vmem>>) semaphore(%arg18 : memref<!tpu.dma_semaphore, #tpu.memory_space<semaphore_mem>>) {add = true}
      %add3A_73 = arith.constant 1 : i32
      %add3A_74 = arith.addi %mul3A_43, %add3A_73 : i32
      %lt3A_75 = arith.constant 125 : i32
      %lt3A_76 = arith.cmpi slt, %add3A_74, %lt3A_75 : i32
      %convert_element_type3A_77 = arith.extui %lt3A_76 : i1 to i32
      %cond3A_78 = arith.constant 0 : i32
      %cond3A_79 = arith.cmpi ne, %convert_element_type3A_77, %cond3A_78 : i32
      scf.if %cond3A_79 {
        %add3A_80 = arith.constant 1 : i32
        %add3A_81 = arith.addi %mul3A_43, %add3A_80 : i32
        %ge3A_82 = arith.constant 1 : i32
        %ge3A_83 = arith.cmpi sge, %add3A_81, %ge3A_82 : i32
        %convert_element_type3A_84 = arith.extui %ge3A_83 : i1 to i32
        %cond3A_85 = arith.constant 0 : i32
        %cond3A_86 = arith.cmpi ne, %convert_element_type3A_84, %cond3A_85 : i32
        scf.if %cond3A_86 {
          %sub3A = arith.constant 1 : i32
          %sub3A_114 = arith.subi %add3A_81, %sub3A : i32
          %dma_wait3A_115 = arith.constant 0 : i32
          %dma_wait3A_116 = tpu.memref_slice %arg9[%sub3A_114, %dma_wait3A_115] : memref<125x80xi32, #tpu.memory_space<vmem>> -> memref<1x80xi32, #tpu.memory_space<vmem>>
          %dma_wait3A_117 = tpu.memref_squeeze %dma_wait3A_116 : memref<1x80xi32, #tpu.memory_space<vmem>> -> memref<80xi32, #tpu.memory_space<vmem>>
          %dma_wait3A_118 = arith.constant 0 : i32
          %dma_wait3A_119 = arith.constant 0 : i32
          %dma_wait3A_120 = tpu.memref_slice %arg15[%dma_wait3A_118, %dma_wait3A_119] : memref<10000x128xf32, #tpu.memory_space<vmem_shared>> -> memref<10000x128xf32, #tpu.memory_space<vmem_shared>>
          tpu.wait_indirect_dma semaphore(%arg18 : memref<!tpu.dma_semaphore, #tpu.memory_space<semaphore_mem>>) src(%arg13 : memref<80x128xf32, #tpu.memory_space<vmem>>) dst(%dma_wait3A_120 : memref<10000x128xf32, #tpu.memory_space<vmem_shared>>)
        } else {
        }
        %add3A_87 = arith.constant 1 : i32
        %add3A_88 = arith.addi %add3A_81, %add3A_87 : i32
        %lt3A_89 = arith.constant 125 : i32
        %lt3A_90 = arith.cmpi slt, %add3A_88, %lt3A_89 : i32
        %convert_element_type3A_91 = arith.extui %lt3A_90 : i1 to i32
        %cond3A_92 = arith.constant 0 : i32
        %cond3A_93 = arith.cmpi ne, %convert_element_type3A_91, %cond3A_92 : i32
        scf.if %cond3A_93 {
          %add3A_114 = arith.constant 1 : i32
          %add3A_115 = arith.addi %add3A_81, %add3A_114 : i32
          %mul3A_116 = arith.constant 80 : i32
          %mul3A_117 = arith.muli %add3A_115, %mul3A_116 : i32
          %dma_start3A_118 = tpu.memref_slice %arg10[%mul3A_117] : memref<10000xi32, #tpu.memory_space<vmem>> -> memref<80xi32, #tpu.memory_space<vmem>>
          %dma_start3A_119 = arith.constant 0 : i32
          %dma_start3A_120 = arith.constant 0 : i32
          %dma_start3A_121 = tpu.memref_slice %arg2[%dma_start3A_119, %dma_start3A_120] : memref<10000x128xf32, #tpu.memory_space<hbm>> -> memref<10000x128xf32, #tpu.memory_space<hbm>>
          tpu.enqueue_indirect_dma source(%dma_start3A_121 : memref<10000x128xf32, #tpu.memory_space<hbm>>) target(%arg13 : memref<80x128xf32, #tpu.memory_space<vmem>>) offsets(%dma_start3A_118 : memref<80xi32, #tpu.memory_space<vmem>>) semaphore(%arg16 : memref<!tpu.dma_semaphore, #tpu.memory_space<semaphore_mem>>)
          %mul3A_122 = arith.constant 80 : i32
          %mul3A_123 = arith.muli %add3A_115, %mul3A_122 : i32
          %add3A_124 = arith.addi %mul3A_4, %mul3A_123 : i32
          %dma_start3A_125 = tpu.memref_slice %arg6[%add3A_124] : memref<320000xf32, #tpu.memory_space<hbm>> -> memref<80xf32, #tpu.memory_space<hbm>>
          %dma_start3A_126 = tpu.memref_slice %arg6[%add3A_124] : memref<320000xf32, #tpu.memory_space<hbm>> -> memref<80xf32, #tpu.memory_space<hbm>>
          tpu.enqueue_dma source(%dma_start3A_126 : memref<80xf32, #tpu.memory_space<hbm>>) target(%arg11 : memref<80xf32, #tpu.memory_space<vmem>>) target_semaphore(%arg20 : memref<!tpu.dma_semaphore, #tpu.memory_space<semaphore_mem>>)
        } else {
        }
        %mul3A_94 = arith.constant 80 : i32
        %mul3A_95 = arith.muli %add3A_81, %mul3A_94 : i32
        %dma_wait3A_96 = tpu.memref_slice %arg10[%mul3A_95] : memref<10000xi32, #tpu.memory_space<vmem>> -> memref<80xi32, #tpu.memory_space<vmem>>
        %dma_wait3A_97 = arith.constant 0 : i32
        %dma_wait3A_98 = arith.constant 0 : i32
        %dma_wait3A_99 = tpu.memref_slice %arg2[%dma_wait3A_97, %dma_wait3A_98] : memref<10000x128xf32, #tpu.memory_space<hbm>> -> memref<10000x128xf32, #tpu.memory_space<hbm>>
        tpu.wait_indirect_dma semaphore(%arg17 : memref<!tpu.dma_semaphore, #tpu.memory_space<semaphore_mem>>) src(%dma_wait3A_99 : memref<10000x128xf32, #tpu.memory_space<hbm>>) dst(%arg14 : memref<80x128xf32, #tpu.memory_space<vmem>>)
        %mul3A_100 = arith.constant 80 : i32
        %mul3A_101 = arith.muli %add3A_81, %mul3A_100 : i32
        %add3A_102 = arith.addi %mul3A_4, %mul3A_101 : i32
        %dma_wait3A_103 = tpu.memref_slice %arg6[%add3A_102] : memref<320000xf32, #tpu.memory_space<hbm>> -> memref<80xf32, #tpu.memory_space<hbm>>
        %dma_wait3A_104 = tpu.memref_slice %arg6[%add3A_102] : memref<320000xf32, #tpu.memory_space<hbm>> -> memref<80xf32, #tpu.memory_space<hbm>>
        tpu.wait_dma2 semaphore(%arg21 : memref<!tpu.dma_semaphore, #tpu.memory_space<semaphore_mem>>) src(%dma_wait3A_104 : memref<80xf32, #tpu.memory_space<hbm>>) dst(%arg12 : memref<80xf32, #tpu.memory_space<vmem>>)
        %parallel_loop3A_105 = arith.constant 0 : i32
        %parallel_loop3A_106 = arith.constant 80 : i32
        %parallel_loop3A_107 = arith.constant 1 : i32
        scf.for %parallel_loop3A_114 = %parallel_loop3A_105 to %parallel_loop3A_106 step %parallel_loop3A_107  : i32 {
          %parallel_loop3A_115 = vector.broadcast %parallel_loop3A_114 : i32 to vector<16xi32>
          %parallel_loop3A_116 = tpu.vector_load_idx %arg12[%parallel_loop3A_115] : memref<80xf32, #tpu.memory_space<vmem>>[vector<16xi32>], vector<16xf32>,
          %parallel_loop3A_117 = arith.constant 4.000000e-01 : f32
          %parallel_loop3A_118 = vector.broadcast %parallel_loop3A_117 : f32 to vector<16xf32>
          %parallel_loop3A_119 = arith.mulf %parallel_loop3A_116, %parallel_loop3A_118 : vector<16xf32>
          %parallel_loop3A_120 = arith.index_cast %parallel_loop3A_114 : i32 to index
          %parallel_loop3A_121 = arith.constant 0 : index
          %parallel_loop3A_122 = tpu.vector_load %arg14[%parallel_loop3A_120, %parallel_loop3A_121] {strides = array<i32>} : memref<80x128xf32, #tpu.memory_space<vmem>>, vector<16xf32>,
          %parallel_loop3A_123 = arith.mulf %parallel_loop3A_122, %parallel_loop3A_119 : vector<16xf32>
          %parallel_loop3A_124 = arith.index_cast %parallel_loop3A_114 : i32 to index
          %parallel_loop3A_125 = arith.constant 0 : index
          %parallel_loop3A_126 = tpu.vector_load %arg14[%parallel_loop3A_124, %parallel_loop3A_125] {strides = array<i32>} : memref<80x128xf32, #tpu.memory_space<vmem>>, vector<16xf32>,
          tpu.vector_store %arg14[%parallel_loop3A_124, %parallel_loop3A_125], %parallel_loop3A_123 {strides = array<i32>} : memref<80x128xf32, #tpu.memory_space<vmem>>, vector<16xf32>,
          %parallel_loop3A_127 = arith.index_cast %parallel_loop3A_114 : i32 to index
          %parallel_loop3A_128 = arith.constant 16 : index
          %parallel_loop3A_129 = tpu.vector_load %arg14[%parallel_loop3A_127, %parallel_loop3A_128] {strides = array<i32>} : memref<80x128xf32, #tpu.memory_space<vmem>>, vector<16xf32>,
          %parallel_loop3A_130 = arith.mulf %parallel_loop3A_129, %parallel_loop3A_119 : vector<16xf32>
          %parallel_loop3A_131 = arith.index_cast %parallel_loop3A_114 : i32 to index
          %parallel_loop3A_132 = arith.constant 16 : index
          %parallel_loop3A_133 = tpu.vector_load %arg14[%parallel_loop3A_131, %parallel_loop3A_132] {strides = array<i32>} : memref<80x128xf32, #tpu.memory_space<vmem>>, vector<16xf32>,
          tpu.vector_store %arg14[%parallel_loop3A_131, %parallel_loop3A_132], %parallel_loop3A_130 {strides = array<i32>} : memref<80x128xf32, #tpu.memory_space<vmem>>, vector<16xf32>,
          %parallel_loop3A_134 = arith.index_cast %parallel_loop3A_114 : i32 to index
          %parallel_loop3A_135 = arith.constant 32 : index
          %parallel_loop3A_136 = tpu.vector_load %arg14[%parallel_loop3A_134, %parallel_loop3A_135] {strides = array<i32>} : memref<80x128xf32, #tpu.memory_space<vmem>>, vector<16xf32>,
          %parallel_loop3A_137 = arith.mulf %parallel_loop3A_136, %parallel_loop3A_119 : vector<16xf32>
          %parallel_loop3A_138 = arith.index_cast %parallel_loop3A_114 : i32 to index
          %parallel_loop3A_139 = arith.constant 32 : index
          %parallel_loop3A_140 = tpu.vector_load %arg14[%parallel_loop3A_138, %parallel_loop3A_139] {strides = array<i32>} : memref<80x128xf32, #tpu.memory_space<vmem>>, vector<16xf32>,
          tpu.vector_store %arg14[%parallel_loop3A_138, %parallel_loop3A_139], %parallel_loop3A_137 {strides = array<i32>} : memref<80x128xf32, #tpu.memory_space<vmem>>, vector<16xf32>,
          %parallel_loop3A_141 = arith.index_cast %parallel_loop3A_114 : i32 to index
          %parallel_loop3A_142 = arith.constant 48 : index
          %parallel_loop3A_143 = tpu.vector_load %arg14[%parallel_loop3A_141, %parallel_loop3A_142] {strides = array<i32>} : memref<80x128xf32, #tpu.memory_space<vmem>>, vector<16xf32>,
          %parallel_loop3A_144 = arith.mulf %parallel_loop3A_143, %parallel_loop3A_119 : vector<16xf32>
          %parallel_loop3A_145 = arith.index_cast %parallel_loop3A_114 : i32 to index
          %parallel_loop3A_146 = arith.constant 48 : index
          %parallel_loop3A_147 = tpu.vector_load %arg14[%parallel_loop3A_145, %parallel_loop3A_146] {strides = array<i32>} : memref<80x128xf32, #tpu.memory_space<vmem>>, vector<16xf32>,
          tpu.vector_store %arg14[%parallel_loop3A_145, %parallel_loop3A_146], %parallel_loop3A_144 {strides = array<i32>} : memref<80x128xf32, #tpu.memory_space<vmem>>, vector<16xf32>,
          %parallel_loop3A_148 = arith.index_cast %parallel_loop3A_114 : i32 to index
          %parallel_loop3A_149 = arith.constant 64 : index
          %parallel_loop3A_150 = tpu.vector_load %arg14[%parallel_loop3A_148, %parallel_loop3A_149] {strides = array<i32>} : memref<80x128xf32, #tpu.memory_space<vmem>>, vector<16xf32>,
          %parallel_loop3A_151 = arith.mulf %parallel_loop3A_150, %parallel_loop3A_119 : vector<16xf32>
          %parallel_loop3A_152 = arith.index_cast %parallel_loop3A_114 : i32 to index
          %parallel_loop3A_153 = arith.constant 64 : index
          %parallel_loop3A_154 = tpu.vector_load %arg14[%parallel_loop3A_152, %parallel_loop3A_153] {strides = array<i32>} : memref<80x128xf32, #tpu.memory_space<vmem>>, vector<16xf32>,
          tpu.vector_store %arg14[%parallel_loop3A_152, %parallel_loop3A_153], %parallel_loop3A_151 {strides = array<i32>} : memref<80x128xf32, #tpu.memory_space<vmem>>, vector<16xf32>,
          %parallel_loop3A_155 = arith.index_cast %parallel_loop3A_114 : i32 to index
          %parallel_loop3A_156 = arith.constant 80 : index
          %parallel_loop3A_157 = tpu.vector_load %arg14[%parallel_loop3A_155, %parallel_loop3A_156] {strides = array<i32>} : memref<80x128xf32, #tpu.memory_space<vmem>>, vector<16xf32>,
          %parallel_loop3A_158 = arith.mulf %parallel_loop3A_157, %parallel_loop3A_119 : vector<16xf32>
          %parallel_loop3A_159 = arith.index_cast %parallel_loop3A_114 : i32 to index
          %parallel_loop3A_160 = arith.constant 80 : index
          %parallel_loop3A_161 = tpu.vector_load %arg14[%parallel_loop3A_159, %parallel_loop3A_160] {strides = array<i32>} : memref<80x128xf32, #tpu.memory_space<vmem>>, vector<16xf32>,
          tpu.vector_store %arg14[%parallel_loop3A_159, %parallel_loop3A_160], %parallel_loop3A_158 {strides = array<i32>} : memref<80x128xf32, #tpu.memory_space<vmem>>, vector<16xf32>,
          %parallel_loop3A_162 = arith.index_cast %parallel_loop3A_114 : i32 to index
          %parallel_loop3A_163 = arith.constant 96 : index
          %parallel_loop3A_164 = tpu.vector_load %arg14[%parallel_loop3A_162, %parallel_loop3A_163] {strides = array<i32>} : memref<80x128xf32, #tpu.memory_space<vmem>>, vector<16xf32>,
          %parallel_loop3A_165 = arith.mulf %parallel_loop3A_164, %parallel_loop3A_119 : vector<16xf32>
          %parallel_loop3A_166 = arith.index_cast %parallel_loop3A_114 : i32 to index
          %parallel_loop3A_167 = arith.constant 96 : index
          %parallel_loop3A_168 = tpu.vector_load %arg14[%parallel_loop3A_166, %parallel_loop3A_167] {strides = array<i32>} : memref<80x128xf32, #tpu.memory_space<vmem>>, vector<16xf32>,
          tpu.vector_store %arg14[%parallel_loop3A_166, %parallel_loop3A_167], %parallel_loop3A_165 {strides = array<i32>} : memref<80x128xf32, #tpu.memory_space<vmem>>, vector<16xf32>,
          %parallel_loop3A_169 = arith.index_cast %parallel_loop3A_114 : i32 to index
          %parallel_loop3A_170 = arith.constant 112 : index
          %parallel_loop3A_171 = tpu.vector_load %arg14[%parallel_loop3A_169, %parallel_loop3A_170] {strides = array<i32>} : memref<80x128xf32, #tpu.memory_space<vmem>>, vector<16xf32>,
          %parallel_loop3A_172 = arith.mulf %parallel_loop3A_171, %parallel_loop3A_119 : vector<16xf32>
          %parallel_loop3A_173 = arith.index_cast %parallel_loop3A_114 : i32 to index
          %parallel_loop3A_174 = arith.constant 112 : index
          %parallel_loop3A_175 = tpu.vector_load %arg14[%parallel_loop3A_173, %parallel_loop3A_174] {strides = array<i32>} : memref<80x128xf32, #tpu.memory_space<vmem>>, vector<16xf32>,
          tpu.vector_store %arg14[%parallel_loop3A_173, %parallel_loop3A_174], %parallel_loop3A_172 {strides = array<i32>} : memref<80x128xf32, #tpu.memory_space<vmem>>, vector<16xf32>,
        } {sc.loop_unroll_factor = 2 : i64, sc.parallel_access}
        %dma_start3A_108 = arith.constant 0 : i32
        %dma_start3A_109 = tpu.memref_slice %arg9[%add3A_81, %dma_start3A_108] : memref<125x80xi32, #tpu.memory_space<vmem>> -> memref<1x80xi32, #tpu.memory_space<vmem>>
        %dma_start3A_110 = tpu.memref_squeeze %dma_start3A_109 : memref<1x80xi32, #tpu.memory_space<vmem>> -> memref<80xi32, #tpu.memory_space<vmem>>
        %dma_start3A_111 = arith.constant 0 : i32
        %dma_start3A_112 = arith.constant 0 : i32
        %dma_start3A_113 = tpu.memref_slice %arg15[%dma_start3A_111, %dma_start3A_112] : memref<10000x128xf32, #tpu.memory_space<vmem_shared>> -> memref<10000x128xf32, #tpu.memory_space<vmem_shared>>
        tpu.enqueue_indirect_dma source(%arg14 : memref<80x128xf32, #tpu.memory_space<vmem>>) target(%dma_start3A_113 : memref<10000x128xf32, #tpu.memory_space<vmem_shared>>) offsets(%dma_start3A_110 : memref<80xi32, #tpu.memory_space<vmem>>) semaphore(%arg19 : memref<!tpu.dma_semaphore, #tpu.memory_space<semaphore_mem>>) {add = true}
      } else {
      }
    }
    %scan3A_23 = arith.constant 63 : i32
    %dma_wait3A = arith.constant 124 : i32
    %dma_wait3A_24 = arith.constant 0 : i32
    %dma_wait3A_25 = tpu.memref_slice %arg9[%dma_wait3A, %dma_wait3A_24] : memref<125x80xi32, #tpu.memory_space<vmem>> -> memref<1x80xi32, #tpu.memory_space<vmem>>
    %dma_wait3A_26 = tpu.memref_squeeze %dma_wait3A_25 : memref<1x80xi32, #tpu.memory_space<vmem>> -> memref<80xi32, #tpu.memory_space<vmem>>
    %dma_wait3A_27 = arith.constant 0 : i32
    %dma_wait3A_28 = arith.constant 0 : i32
    %dma_wait3A_29 = tpu.memref_slice %arg15[%dma_wait3A_27, %dma_wait3A_28] : memref<10000x128xf32, #tpu.memory_space<vmem_shared>> -> memref<10000x128xf32, #tpu.memory_space<vmem_shared>>
    tpu.wait_indirect_dma semaphore(%arg18 : memref<!tpu.dma_semaphore, #tpu.memory_space<semaphore_mem>>) src(%arg13 : memref<80x128xf32, #tpu.memory_space<vmem>>) dst(%dma_wait3A_29 : memref<10000x128xf32, #tpu.memory_space<vmem_shared>>)
    %barrier3A_30 = arith.constant 0 : index
    tpu.barrier barrier_id(%barrier3A_30)
    %eq3A_31 = arith.constant 0 : i32
    %eq3A_32 = arith.cmpi eq, %arg0, %eq3A_31 : i32
    %convert_element_type3A_33 = arith.extui %eq3A_32 : i1 to i32
    %cond3A_34 = arith.constant 0 : i32
    %cond3A_35 = arith.cmpi ne, %convert_element_type3A_33, %cond3A_34 : i32
    scf.if %cond3A_35 {
      "tpu.region"() ({
        %run_scoped3A = tpu.sem_alloc : memref<!tpu.dma_semaphore, #tpu.memory_space<semaphore_mem>>
        %dma_start3A_46 = arith.constant 0 : i32
        %dma_start3A_47 = tpu.memref_slice %arg7[%mul3A_2, %dma_start3A_46] : memref<10000x128xf32, #tpu.memory_space<hbm>> -> memref<624x128xf32, #tpu.memory_space<hbm>>
        %dma_start3A_48 = arith.constant 0 : i32
        %dma_start3A_49 = tpu.memref_slice %arg15[%mul3A_2, %dma_start3A_48] : memref<10000x128xf32, #tpu.memory_space<vmem_shared>> -> memref<624x128xf32, #tpu.memory_space<vmem_shared>>
        tpu.enqueue_dma source(%dma_start3A_49 : memref<624x128xf32, #tpu.memory_space<vmem_shared>>) target(%dma_start3A_47 : memref<624x128xf32, #tpu.memory_space<hbm>>) target_semaphore(%run_scoped3A : memref<!tpu.dma_semaphore, #tpu.memory_space<semaphore_mem>>)
        %dma_wait3A_50 = arith.constant 0 : i32
        %dma_wait3A_51 = tpu.memref_slice %arg7[%mul3A_2, %dma_wait3A_50] : memref<10000x128xf32, #tpu.memory_space<hbm>> -> memref<624x128xf32, #tpu.memory_space<hbm>>
        %dma_wait3A_52 = arith.constant 0 : i32
        %dma_wait3A_53 = tpu.memref_slice %arg15[%mul3A_2, %dma_wait3A_52] : memref<10000x128xf32, #tpu.memory_space<vmem_shared>> -> memref<624x128xf32, #tpu.memory_space<vmem_shared>>
        tpu.wait_dma2 semaphore(%run_scoped3A : memref<!tpu.dma_semaphore, #tpu.memory_space<semaphore_mem>>) src(%dma_wait3A_53 : memref<624x128xf32, #tpu.memory_space<vmem_shared>>) dst(%dma_wait3A_51 : memref<624x128xf32, #tpu.memory_space<hbm>>)
        tpu.yield
      }) : () -> ()
      %eq3A_41 = arith.constant 0 : i32
      %eq3A_42 = arith.cmpi eq, %arg1, %eq3A_41 : i32
      %convert_element_type3A_43 = arith.extui %eq3A_42 : i1 to i32
      %cond3A_44 = arith.constant 0 : i32
      %cond3A_45 = arith.cmpi ne, %convert_element_type3A_43, %cond3A_44 : i32
      scf.if %cond3A_45 {
        "tpu.region"() ({
          %run_scoped3A = tpu.sem_alloc : memref<!tpu.dma_semaphore, #tpu.memory_space<semaphore_mem>>
          %dma_start3A_46 = arith.constant 9984 : i32
          %dma_start3A_47 = arith.constant 0 : i32
          %dma_start3A_48 = tpu.memref_slice %arg7[%dma_start3A_46, %dma_start3A_47] : memref<10000x128xf32, #tpu.memory_space<hbm>> -> memref<16x128xf32, #tpu.memory_space<hbm>>
          %dma_start3A_49 = arith.constant 9984 : i32
          %dma_start3A_50 = arith.constant 0 : i32
          %dma_start3A_51 = tpu.memref_slice %arg15[%dma_start3A_49, %dma_start3A_50] : memref<10000x128xf32, #tpu.memory_space<vmem_shared>> -> memref<16x128xf32, #tpu.memory_space<vmem_shared>>
          tpu.enqueue_dma source(%dma_start3A_51 : memref<16x128xf32, #tpu.memory_space<vmem_shared>>) target(%dma_start3A_48 : memref<16x128xf32, #tpu.memory_space<hbm>>) target_semaphore(%run_scoped3A : memref<!tpu.dma_semaphore, #tpu.memory_space<semaphore_mem>>)
          %dma_wait3A_52 = arith.constant 9984 : i32
          %dma_wait3A_53 = arith.constant 0 : i32
          %dma_wait3A_54 = tpu.memref_slice %arg7[%dma_wait3A_52, %dma_wait3A_53] : memref<10000x128xf32, #tpu.memory_space<hbm>> -> memref<16x128xf32, #tpu.memory_space<hbm>>
          %dma_wait3A_55 = arith.constant 9984 : i32
          %dma_wait3A_56 = arith.constant 0 : i32
          %dma_wait3A_57 = tpu.memref_slice %arg15[%dma_wait3A_55, %dma_wait3A_56] : memref<10000x128xf32, #tpu.memory_space<vmem_shared>> -> memref<16x128xf32, #tpu.memory_space<vmem_shared>>
          tpu.wait_dma2 semaphore(%run_scoped3A : memref<!tpu.dma_semaphore, #tpu.memory_space<semaphore_mem>>) src(%dma_wait3A_57 : memref<16x128xf32, #tpu.memory_space<vmem_shared>>) dst(%dma_wait3A_54 : memref<16x128xf32, #tpu.memory_space<hbm>>)
          tpu.yield
        }) : () -> ()
      } else {
      }
    } else {
    }
    %ne3A_36 = arith.constant 0 : i32
    %ne3A_37 = arith.cmpi ne, %arg0, %ne3A_36 : i32
    %convert_element_type3A_38 = arith.extui %ne3A_37 : i1 to i32
    %cond3A_39 = arith.constant 0 : i32
    %cond3A_40 = arith.cmpi ne, %convert_element_type3A_38, %cond3A_39 : i32
    scf.if %cond3A_40 {
      "tpu.region"() ({
        %run_scoped3A = tpu.sem_alloc : memref<!tpu.dma_semaphore, #tpu.memory_space<semaphore_mem>>
        %dma_start3A_46 = arith.constant 0 : i32
        %dma_start3A_47 = tpu.memref_slice %arg8[%mul3A_2, %dma_start3A_46] : memref<10000x128xf32, #tpu.memory_space<hbm>> -> memref<624x128xf32, #tpu.memory_space<hbm>>
        %dma_start3A_48 = arith.constant 0 : i32
        %dma_start3A_49 = tpu.memref_slice %arg15[%mul3A_2, %dma_start3A_48] : memref<10000x128xf32, #tpu.memory_space<vmem_shared>> -> memref<624x128xf32, #tpu.memory_space<vmem_shared>>
        tpu.enqueue_dma source(%dma_start3A_49 : memref<624x128xf32, #tpu.memory_space<vmem_shared>>) target(%dma_start3A_47 : memref<624x128xf32, #tpu.memory_space<hbm>>) target_semaphore(%run_scoped3A : memref<!tpu.dma_semaphore, #tpu.memory_space<semaphore_mem>>)
        %dma_wait3A_50 = arith.constant 0 : i32
        %dma_wait3A_51 = tpu.memref_slice %arg8[%mul3A_2, %dma_wait3A_50] : memref<10000x128xf32, #tpu.memory_space<hbm>> -> memref<624x128xf32, #tpu.memory_space<hbm>>
        %dma_wait3A_52 = arith.constant 0 : i32
        %dma_wait3A_53 = tpu.memref_slice %arg15[%mul3A_2, %dma_wait3A_52] : memref<10000x128xf32, #tpu.memory_space<vmem_shared>> -> memref<624x128xf32, #tpu.memory_space<vmem_shared>>
        tpu.wait_dma2 semaphore(%run_scoped3A : memref<!tpu.dma_semaphore, #tpu.memory_space<semaphore_mem>>) src(%dma_wait3A_53 : memref<624x128xf32, #tpu.memory_space<vmem_shared>>) dst(%dma_wait3A_51 : memref<624x128xf32, #tpu.memory_space<hbm>>)
        tpu.yield
      }) : () -> ()
      %eq3A_41 = arith.constant 0 : i32
      %eq3A_42 = arith.cmpi eq, %arg1, %eq3A_41 : i32
      %convert_element_type3A_43 = arith.extui %eq3A_42 : i1 to i32
      %cond3A_44 = arith.constant 0 : i32
      %cond3A_45 = arith.cmpi ne, %convert_element_type3A_43, %cond3A_44 : i32
      scf.if %cond3A_45 {
        "tpu.region"() ({
          %run_scoped3A = tpu.sem_alloc : memref<!tpu.dma_semaphore, #tpu.memory_space<semaphore_mem>>
          %dma_start3A_46 = arith.constant 9984 : i32
          %dma_start3A_47 = arith.constant 0 : i32
          %dma_start3A_48 = tpu.memref_slice %arg8[%dma_start3A_46, %dma_start3A_47] : memref<10000x128xf32, #tpu.memory_space<hbm>> -> memref<16x128xf32, #tpu.memory_space<hbm>>
          %dma_start3A_49 = arith.constant 9984 : i32
          %dma_start3A_50 = arith.constant 0 : i32
          %dma_start3A_51 = tpu.memref_slice %arg15[%dma_start3A_49, %dma_start3A_50] : memref<10000x128xf32, #tpu.memory_space<vmem_shared>> -> memref<16x128xf32, #tpu.memory_space<vmem_shared>>
          tpu.enqueue_dma source(%dma_start3A_51 : memref<16x128xf32, #tpu.memory_space<vmem_shared>>) target(%dma_start3A_48 : memref<16x128xf32, #tpu.memory_space<hbm>>) target_semaphore(%run_scoped3A : memref<!tpu.dma_semaphore, #tpu.memory_space<semaphore_mem>>)
          %dma_wait3A_52 = arith.constant 9984 : i32
          %dma_wait3A_53 = arith.constant 0 : i32
          %dma_wait3A_54 = tpu.memref_slice %arg8[%dma_wait3A_52, %dma_wait3A_53] : memref<10000x128xf32, #tpu.memory_space<hbm>> -> memref<16x128xf32, #tpu.memory_space<hbm>>
          %dma_wait3A_55 = arith.constant 9984 : i32
          %dma_wait3A_56 = arith.constant 0 : i32
          %dma_wait3A_57 = tpu.memref_slice %arg15[%dma_wait3A_55, %dma_wait3A_56] : memref<10000x128xf32, #tpu.memory_space<vmem_shared>> -> memref<16x128xf32, #tpu.memory_space<vmem_shared>>
          tpu.wait_dma2 semaphore(%run_scoped3A : memref<!tpu.dma_semaphore, #tpu.memory_space<semaphore_mem>>) src(%dma_wait3A_57 : memref<16x128xf32, #tpu.memory_space<vmem_shared>>) dst(%dma_wait3A_54 : memref<16x128xf32, #tpu.memory_space<hbm>>)
          tpu.yield
        }) : () -> ()
      } else {
      }
    } else {
    }
    return
  }
}

module attributes {stable_mosaic.version = 14 : i64} {
  func.func @_combine_body(%arg0: i32, %arg1: memref<1000x128xf32, #tpu.memory_space<vmem>>, %arg2: memref<1000x128xf32, #tpu.memory_space<vmem>>, %arg3: memref<1000x128xf32, #tpu.memory_space<vmem>>, %arg4: memref<1000x128xf32, #tpu.memory_space<vmem>>) attributes {dimension_semantics = [#tpu.dimension_semantics<arbitrary>], iteration_bounds = array<i64: 10>, scalar_prefetch = 0 : i64, scratch_operands = 0 : i64, tpu.core_type = #tpu.core_type<tc>, window_params = [{transform_indices = @transform_0, window_bounds = array<i64: 1000, 128>}, {transform_indices = @transform_1, window_bounds = array<i64: 1000, 128>}, {transform_indices = @transform_2, window_bounds = array<i64: 1000, 128>}, {transform_indices = @transform_3, window_bounds = array<i64: 1000, 128>}]} {
    %get3A = arith.constant 0 : index
    %get3A_0 = arith.constant 0 : index
    %get3A_1 = vector.load %arg1[%get3A, %get3A_0] : memref<1000x128xf32, #tpu.memory_space<vmem>>, vector<1000x128xf32>
    %get3A_2 = arith.constant 0 : index
    %get3A_3 = arith.constant 0 : index
    %get3A_4 = vector.load %arg2[%get3A_2, %get3A_3] : memref<1000x128xf32, #tpu.memory_space<vmem>>, vector<1000x128xf32>
    %add3A = arith.addf %get3A_1, %get3A_4 : vector<1000x128xf32>
    %get3A_5 = arith.constant 0 : index
    %get3A_6 = arith.constant 0 : index
    %get3A_7 = vector.load %arg3[%get3A_5, %get3A_6] : memref<1000x128xf32, #tpu.memory_space<vmem>>, vector<1000x128xf32>
    %sub3A = arith.subf %add3A, %get3A_7 : vector<1000x128xf32>
    %swap3A = arith.constant 0 : index
    %swap3A_8 = arith.constant 0 : index
    %swap3A_9 = vector.load %arg4[%swap3A, %swap3A_8] : memref<1000x128xf32, #tpu.memory_space<vmem>>, vector<1000x128xf32>
    tpu.vector_store %arg4[%swap3A, %swap3A_8], %sub3A {strides = array<i32>} : memref<1000x128xf32, #tpu.memory_space<vmem>>, vector<1000x128xf32>,
    return
  }
  func.func @transform_0(%arg0: i32) -> (i32, i32) {
    %c0_i32 = arith.constant 0 : i32
    %c0_i32_0 = arith.constant 0 : i32
    return %arg0, %c0_i32 : i32, i32
  }
  func.func @transform_1(%arg0: i32) -> (i32, i32) {
    %c0_i32 = arith.constant 0 : i32
    %c0_i32_0 = arith.constant 0 : i32
    return %arg0, %c0_i32 : i32, i32
  }
  func.func @transform_2(%arg0: i32) -> (i32, i32) {
    %c0_i32 = arith.constant 0 : i32
    %c0_i32_0 = arith.constant 0 : i32
    return %arg0, %c0_i32 : i32, i32
  }
  func.func @transform_3(%arg0: i32) -> (i32, i32) {
    %c0_i32 = arith.constant 0 : i32
    %c0_i32_0 = arith.constant 0 : i32
    return %arg0, %c0_i32 : i32, i32
  }
}

</mosaic_0001>

<sc_bundles>
// kernel: kernel.4.cloned.1.call-start
scs
__scs_entry_jumppad:
0x0: {  	(pc) =	sbr.rel $0x88, $3  }
0x1: {  	(tag) =	ssettag $0x0;
	lr =	simm.s32 $0x1  }
0x2: {  	[smem:$0x3F9D] =	sst lr;
	_ =	strace $0xD0000000  }
0x3: {  	_ = 	snop  }
0x4: {  	_ = 	snop  }
0x5: {  	_ = 	snop  }
0x6: {  	_ = 	snop  }
0x7: {  	_ = 	snop  }
__scs_overlays_trampoline_lowered:
0x8: {  	[smem:$0x3FAC] =	sst s0  }
0x9: {  	[smem:$0x3FAD] =	sst s1  }
0xa: {  	[smem:$0x3FAE] =	sst s2  }
0xb: {  	[smem:$0x3FAF] =	sst s3  }
0xc: {  	[smem:$0x3FB0] =	sst s4  }
0xd: {  	[smem:$0x3FB1] =	sst s5  }
0xe: {  	[smem:$0x3FB2] =	sst s6  }
0xf: {  	[smem:$0x3FB3] =	sst s7  }
0x10: {  	[smem:$0x3FB4] =	sst s8  }
0x11: {  	[smem:$0x3FB5] =	sst s9;
	s0 =	simm.s32 @!p0 $0x0  }
0x12: {  	s1 =	sld [smem:$0x3F9B];
	s0 =	simm.s32 @p0 $0x1  }
0x13: {  	[smem:$0x3FB6] =	sst s0;
	s0 =	simm.s32 @!p1 $0x0  }
0x14: {  	s2 =	sld [smem:$0x3F9A];
	s0 =	simm.s32 @p1 $0x1  }
0x15: {  	[smem:$0x3FB7] =	sst s0;
	s0 =	simm.s32 @!p2 $0x0  }
0x16: {  	s3 =	sld [smem:$0x3FDB];
	s0 =	simm.s32 @p2 $0x1  }
0x17: {  	s4 =	simm.s32 $0x1BF5;
	[smem:$0x3FB9] =	sst s0  }
0x18: {  	s0 =	sld [smem:$0x3F9C];
	_ =	swait.ge [sflag:s4], $0x0  }
0x19: {  	s7 =	sld [smem:$0x3F9D]  }
0x1a: {  	s8 =	sadd.s32 $0xFFFFE003, lr  }
0x1b: {  	s9 =	sadd.s32 $0xFFFFFEF7, lr;
	s5 =	simm.s32 $0xFFFFFFFF;
	p2 =	slt.u32 s8, $0xFFFFF086  }
0x1c: {  	p1 =	slt.u32 s9, $0xF7A;
	s5 =	simm.s32 @!p2 $0x0  }
0x1d: {  	s5 =	simm.s32 @p1 $0x1;
	p0 =	seq.s32 s7, s2  }
0x1e: {  	s7 =	smul.u32 @!p0 $0xF7A, s2;
	p2 =	seq.s32 @!p0 s5, $0x0  }
0x1f: {  	s9 =	smul.u32 $0xF7A, s1;
	s8 =	simm.s32 @!p0 $0x1BF5;
	p2 =	por !p2, p0  }
0x20: {  	[sflag:s8] =	ssyncset.s32 @!p0 $0xFFFFF086;
	s6 =	sadd.s32 @!p0 s3, s7;
	s7 =	simm.s32 @!p0 $0x108  }
0x21: {  	s3 =	sadd.s32 s3, s9;
	s6 =	sadd.s32 @!p0 $0x88, s6;
	s7 =	simm.s32 @p2 $0x1082  }
0x22: {  	[simem:s7], [sflag:s8] =	dma.local @!p0 [hbm:s6], $0xF7A  }
0x23: {  	s9 =	sor.u32 $0xD0000000, s2;
	s6 =	simm.s32 $0x108;
	_ =	swait.ge @!p0 [sflag:s8], $0x0  }
0x24: {  	s3 =	sadd.s32 $0x88, s3;
	s6 =	simm.s32 @!p1 $0x1082;
	[sflag:s4] =	ssyncset.s32 $0xFFFFF086  }
0x25: {  	[simem:s6], [sflag:s4] =	dma.local [hbm:s3], $0xF7A  }
0x26: {  	[smem:$0x3F9D] =	sst s1;
	(tag) =	ssettag s2;
	_ =	strace s9  }
0x27: {  	s1 =	sld [smem:$0x3FAD]  }
0x28: {  	s2 =	sld [smem:$0x3FAE]  }
0x29: {  	s4 =	sld [smem:$0x3FB0]  }
0x2a: {  	p0 =	seq.s32 s5, $0x0;
	s5 =	sld [smem:$0x3FB1]  }
0x2b: {  	s6 =	sld [smem:$0x3FB2]  }
0x2c: {  	s7 =	sld [smem:$0x3FB3]  }
0x2d: {  	s3 =	simm.s32 $0x108;
	s8 =	sld [smem:$0x3FB4]  }
0x2e: {  	s3 =	simm.s32 @!p0 $0x1082;
	s9 =	sld [smem:$0x3FB5]  }
0x2f: {  	lr =	sadd.s32 s0, s3;
	s0 =	sld [smem:$0x3FAC]  }
0x30: {  	s3 =	sld [smem:$0x3FAF]  }
0x31: {  	[smem:$0x3FB8] =	sst s10  }
0x32: {  	s10 =	sld [smem:$0x3FB6];
	_ =	sdelay $0x3  }
0x33: {  	p0 =	seq.s32 s10, $0x1;
	s10 =	sld [smem:$0x3FB8];
	_ =	sdelay $0x3  }
0x34: {  	[smem:$0x3FB8] =	sst s10  }
0x35: {  	s10 =	sld [smem:$0x3FB7];
	_ =	sdelay $0x3  }
0x36: {  	p1 =	seq.s32 s10, $0x1;
	s10 =	sld [smem:$0x3FB8];
	_ =	sdelay $0x3  }
0x37: {  	[smem:$0x3FB8] =	sst s10  }
0x38: {  	s10 =	sld [smem:$0x3FB9]  }
0x39: {  	_ = 	snop;
	(pc) =	sbr.ind lr, $3  }
0x3a: {  	_ = 	snop  }
0x3b: {  	_ = 	snop  }
0x3c: {  	p2 =	seq.s32 s10, $0x1;
	s10 =	sld [smem:$0x3FB8]  }
0x3d: {  	_ =	shalt  }
0x3e: {  	_ =	shalt  }
0x3f: {  	_ =	shalt  }
0x40: {  	_ =	shalt  }
0x41: {  	_ =	shalt  }
0x42: {  	_ =	shalt  }
0x43: {  	_ =	shalt  }
0x44: {  	_ =	shalt  }
0x45: {  	_ =	shalt  }
0x46: {  	_ =	shalt  }
0x47: {  	_ =	shalt  }
0x48: {  	_ =	shalt  }
0x49: {  	_ =	shalt  }
0x4a: {  	_ =	shalt  }
0x4b: {  	_ =	shalt  }
0x4c: {  	_ =	shalt  }
0x4d: {  	_ =	shalt  }
0x4e: {  	_ =	shalt  }
0x4f: {  	_ =	shalt  }
0x50: {  	_ =	shalt  }
0x51: {  	_ =	shalt  }
0x52: {  	_ =	shalt  }
0x53: {  	_ =	shalt  }
0x54: {  	_ =	shalt  }
0x55: {  	_ =	shalt  }
0x56: {  	_ =	shalt  }
0x57: {  	_ =	shalt  }
0x58: {  	_ =	shalt  }
0x59: {  	_ =	shalt  }
0x5a: {  	_ =	shalt  }
0x5b: {  	_ =	shalt  }
0x5c: {  	_ =	shalt  }
0x5d: {  	_ =	shalt  }
0x5e: {  	_ =	shalt  }
0x5f: {  	_ =	shalt  }
0x60: {  	_ =	shalt  }
0x61: {  	_ =	shalt  }
0x62: {  	_ =	shalt  }
0x63: {  	_ =	shalt  }
0x64: {  	_ =	shalt  }
0x65: {  	_ =	shalt  }
0x66: {  	_ =	shalt  }
0x67: {  	_ =	shalt  }
0x68: {  	_ =	shalt  }
0x69: {  	_ =	shalt  }
0x6a: {  	_ =	shalt  }
0x6b: {  	_ =	shalt  }
0x6c: {  	_ =	shalt  }
0x6d: {  	_ =	shalt  }
0x6e: {  	_ =	shalt  }
0x6f: {  	_ =	shalt  }
0x70: {  	_ =	shalt  }
0x71: {  	_ =	shalt  }
0x72: {  	_ =	shalt  }
0x73: {  	_ =	shalt  }
0x74: {  	_ =	shalt  }
0x75: {  	_ =	shalt  }
0x76: {  	_ =	shalt  }
0x77: {  	_ =	shalt  }
0x78: {  	_ =	shalt  }
0x79: {  	_ =	shalt  }
0x7a: {  	_ =	shalt  }
0x7b: {  	_ =	shalt  }
0x7c: {  	_ =	shalt  }
0x7d: {  	_ =	shalt  }
0x7e: {  	_ =	shalt  }
0x7f: {  	_ =	shalt  }
0x80: {  	_ =	shalt  }
0x81: {  	_ =	shalt  }
0x82: {  	_ =	shalt  }
0x83: {  	_ =	shalt  }
0x84: {  	_ =	shalt  }
0x85: {  	_ =	shalt  }
0x86: {  	_ =	shalt  }
0x87: {  	_ =	shalt  }
.Lfunc_end0:
.L_simem_size_0:
called_computation_lowered:
.L_overlay_start_0:
0x88: {  	s2 =	sld [smem:$0x3FD9]  }
0x89: {  	s3 =	sld [smem:$0x3FFE];
	_ =	sdelay $0x1  }
0x8a: {  	s1 =	srdreg.scid  }
0x8b: {  	s0 =	sand.u32 $0x1, s1  }
0x8c: {  	s17 =	sshll.u32 s0, $0xA;
	s2 =	sadd.s32 s3, s2  }
0x8d: {  	s2 =	sadd.s32 s2, s17  }
0x8e: {  	[smem:$0x3FC4] =	sst s2  }
0x8f: {  	_ = 	snop  }
0x90: {  	s2 =	sld [smem:$0x3FC9]  }
0x91: {  	s18 =	sld [smem:$0x3FC8]  }
0x92: {  	s4 =	sld [smem:$0x3FC7]  }
0x93: {  	s5 =	sld [smem:$0x3FD0];
	(tm) =	ssettm $0x1  }
0x94: {  	s6 =	sld [smem:$0x3FFB];
	_ =	sdelay $0x3  }
0x95: {  	_ =	strace s6  }
0x96: {  	s6 =	sld [smem:$0x3FFC];
	_ =	sdelay $0x3  }
0x97: {  	_ =	strace s6  }
0x98: {  	s6 =	sld [smem:$0x3FFD];
	_ =	sdelay $0x3  }
0x99: {  	_ =	strace s6  }
0x9a: {  	_ =	strace $0x8FFFFFFF  }
0x9b: {  	s19 =	sld [smem:$0x3FDB];
	_ =	sdelay $0x1  }
0x9c: {  	s7 =	simm.s32 $_scs_section_size  }
0x9d: {  	s8 =	simm.s32 $_size__tile_overlayer_lowered;
	s9 =	simm.s32 $_tile_overlayer_lowered  }
0x9e: {  	s22 =	simm.s32 $0x1BFF;
	s21 =	sshll.u32 s9, $0x1;
	s6 =	sadd.s32 s7, s19  }
0x9f: {  	s10 =	simm.s32 $0x0;
	s20 =	sshll.u32 s8, $0x1;
	s8 =	sadd.s32 s21, s6  }
0xa0: {  	[timem:s10], [sflag:s22] =	dma.local [hbm:s8], s20  }
0xa1: {  	_ =	swait.ge [sflag:s22], s20  }
0xa2: {  	s7 =	ssub.s32 $0x0, s20;
	[sflag:s22] =	ssyncset.done $0x0  }
0xa3: {  	[sflag:s22] =	ssyncadd.s32 s7;
	_ =	sdelay $0x1  }
0xa4: {  	s23 =	simm.s32 $0x1B8B  }
0xa5: {  	_ =	swait.ge [sflag:s23], $0x1  }
0xa6: {  	[sflag:s23] =	ssyncset.done $0x0  }
0xa7: {  	s25 =	simm.s32 $0x1B8E;
	s24 =	sld [smem:$0x3FFE];
	[sflag:s23] =	ssyncadd.s32 $0xFFFFFFFF  }
0xa8: {  	s26 =	simm.s32 $execute0_lowered;
	[smem:$0x3FD2] =	sst s25  }
0xa9: {  	s8 =	sshll.u32 s26, $0x1;
	_ =	strace $0x80000046;
	[dreg:$0x1] =	wrdreg $0xFFFFFFFF  }
0xaa: {  	s28 =	simm.s32 $_size_execute0_lowered;
	s6 =	sadd.s32 s6, s8;
	[dreg:$0x0] =	wrdreg $0x0  }
0xab: {  	s8 =	sshll.u32 s28, $0x1;
	[dreg:$0x2] =	wrdreg s6  }
0xac: {  	[dreg:$0x3] =	wrdreg s8  }
0xad: {  	[dreg:$0x4] =	wrdreg $0xC0  }
0xae: {  	_ =	task [dreg:s10], $0x5FFFF  }
0xaf: {  	[dreg:$0x1] =	wrdreg $0xFFFFFFFF  }
0xb0: {  	[dreg:$0x0] =	wrdreg $0x60  }
0xb1: {  	[dreg:$0x2] =	wrdreg s2  }
0xb2: {  	[dreg:$0x3] =	wrdreg s18  }
0xb3: {  	[dreg:$0x4] =	wrdreg s24  }
0xb4: {  	[dreg:$0x5] =	wrdreg s4  }
0xb5: {  	[dreg:$0x6] =	wrdreg s5  }
0xb6: {  	[dreg:$0x7] =	wrdreg $0xB8800  }
0xb7: {  	[dreg:$0x8] =	wrdreg $0x9  }
0xb8: {  	_ =	task.clear_ibuf [dreg:s10], $0x9FFFF;
	_ =	strace $0x90000046  }
0xb9: {  	s29 =	simm.s32 $0x9;
	_ =	strace $0x80000048  }
0xba: {  	_ =	swait.ge [sflag:s29], $0x1  }
0xbb: {  	[sflag:s29] =	ssyncadd.s32 $0xFFFFFFFF  }
0xbc: {  	_ =	strace $0x90000048  }
0xbd: {  	_ =	sfence  }
0xbe: {  	s30 =	sld [smem:$0x0];
	_ =	sdelay $0x2  }
0xbf: {  	s31 =	sshll.u32 s1, $0xD;
	s1 =	sshrl.u32 s1, $0x2  }
0xc0: {  	s3 =	sand.u32 $0x4000, s31;
	s1 =	sadd.s32 s1, s30  }
0xc1: {  	s0 =	sor.u32 s3, s0;
	s1 =	sshll.u32 s1, $0x11  }
0xc2: {  	s0 =	sor.u32 s1, s0  }
0xc3: {  	s0 =	sadd.s32 $0x8F2B, s0  }
0xc4: {  	[sflag:s0] =	ssyncadd.remote.s32 $0x1  }
0xc5: {  	_ =	sfence.sel $0xFFFF  }
0xc6: {  	[dreg:$0x0] =	wrdreg $0xFFFFFFFF;
	(pc) =	sbr.abs _section_cstart, $3  }
0xc7: {  	[dreg:$0x1] =	wrdreg $0xFFFFFFFF  }
0xc8: {  	_ =	task.clear_ibuf [dreg:s10], $0x2FFFF;
	_ =	strace $0x9FFFFFFF  }
0xc9: {  	(tm) =	ssettm $0x7FFFFFFF  }
tec
execute0_lowered:
.L_overlay_start_1:
0x0: {  	(tag) =	ssettag $0x1  }
0x1: {  	s0 =	rddreg [dreg:$0x0]  }
0x2: {  	s2 =	rddreg [dreg:$0x1]  }
0x3: {  	s3 =	rddreg [dreg:$0x2]  }
0x4: {  	s1 =	rddreg [dreg:$0x3];
	s4 =	srdreg.scid  }
0x5: {  	s16 =	rddreg [dreg:$0x4];
	s10 =	stileid.u32  }
0x6: {  	s5 =	simm.s32 $0x0;
	s28 =	simm.s32 $0x9080;
	s29 =	simm.s32 $0x6800  }
0x7: {  	s30 =	simm.s32 $0x5;
	s7 =	sand.u32 $0x1, s4;
	s4 =	rddreg [dreg:$0x5]  }
0x8: {  	s31 =	simm.s32 $0x3;
	[smem:$0x7FF] =	sst s5;
	s20 =	smul.u32 $0x4E000, s10  }
0x9: {  	s17 =	sadd.s32 $0x1AA00, s3;
	s15 =	smul.u32 $0x2700, s10;
	s26 =	sshll.u32 s10, $0x6  }
0xa: {  	p0 =	sne.s32 s10, $0x0;
	p2 =	seq.s32 s10, $0x0;
	s6 =	sshll.u32 s7, $0x4  }
0xb: {  	_ =	strace $0x80000047;
	s21 =	ssub.s32 $0x2, s7;
	[dreg:$0x7] =	wrdreg s17  }
0xc: {  	p1 =	sne.s32 s7, $0x0;
	[dreg:$0xe] =	wrdreg s26;
	s19 =	sor.u32 $0x1C07, s26  }
0xd: {  	s26 =	simm.s32 $0x1;
	s8 =	sor.u32 s10, s6;
	s14 =	sadd.s32 s2, s15  }
0xe: {  	s9 =	sshrl.u32 s21, $0x1;
	s2 =	sadd.s32 $0x27000, s2;
	[dreg:$0x8] =	wrdreg s14  }
0xf: {  	s24 =	sadd.s32 s17, s15;
	s25 =	sadd.s32 s16, s15;
	[dreg:$0x9] =	wrdreg s2  }
0x10: {  	s10 =	simm.s32 $0x0;
	s6 =	smul.u32 $0x2710, s8;
	[dreg:$0xc] =	wrdreg s24  }
0x11: {  	s8 =	sshll.u32 s8, $0xB;
	[dreg:$0xd] =	wrdreg s25;
	s24 =	simm.s32 $0x6880  }
0x12: {  	s25 =	simm.s32 $0x6780;
	s11 =	sadd.s32 s8, s3;
	s8 =	sshrl.u32 s20, $0x2  }
0x13: {  	s2 =	simm.s32 $0x2;
	s12 =	sshrl.u32 s6, $0x3;
	s8 =	sadd.s32 s8, s4  }
.Ltmp0:
0x14: {  	s22 =	sadd.s32 $0xAA00, s11;
	s13 =	sadd.s32 s12, s3;
	(pc) =	sbr.rel .LBB2_1-.Ltmp0, $4  }
0x15: {  	s3 =	ssub.s32 s21, s9;
	s9 =	sadd.s32 $0x138000, s4;
	[dreg:$0xa] =	wrdreg s22  }
0x16: {  	s14 =	sadd.s32 s1, s12;
	s20 =	sshrl.u32 s8, $0x3;
	s21 =	simm.s32 $0x7  }
0x17: {  	s22 =	simm.s32 $0x4000;
	s23 =	sadd.s32 $0xC00, s13;
	s17 =	smax.u32 s3, $0x1  }
0x18: {  	v0 =	vimm.f32 $0.0e+00;
	s3 =	simm.s32 $0x6;
	[dreg:$0xb] =	wrdreg s23;
	s23 =	simm.s32 $0x50  }
.LBB2_22:
0x19: {  	s11 =	sadd.s32 $0x27000, s11;
	s12 =	sshrl.u32 s9, $0x3  }
0x1a: {  	[hbm:s11], [sflag:s7] =	dma.local [spmem:s12], $0x100  }
0x1b: {  	_ =	swait.ge [sflag:s21], $0x100  }
0x1c: {  	[sflag:s21] =	ssyncset.done $0x0  }
0x1d: {  	[sflag:s21] =	ssyncadd.s32 $0xFFFFFF00  }
.LBB2_23:
0x1e: {  	s10 =	sadd.s32 $0x1, s10  }
0x1f: {  	p3 =	sne.s32 s10, s17  }
.Ltmp1:
0x20: {  	_ = 	snop;
	(pc) =	sbr.rel @!p3 .LBB2_24-.Ltmp1, $1  }
0x21: {  	_ =	sdelay $0x3  }
.LBB2_1:
.Ltmp2:
0x22: {  	(pc) =	sbr.rel @p1 .LBB2_3-.Ltmp2, $1  }
0x23: {  	_ =	sdelay $0x3  }
0x24: {  	s7 =	rddreg [dreg:$0x8]  }
0x25: {  	[spmem:s20], [sflag:s19] =	dma.local [hbm:s7], $0x2700  }
0x26: {  	_ =	swait.ge [sflag:s21], $0x2700  }
0x27: {  	[sflag:s21] =	ssyncset.done $0x0  }
0x28: {  	s7 =	sshrl.u32 @!p0 s9, $0x3;
	s11 =	rddreg [dreg:$0x9];
	[sflag:s21] =	ssyncadd.s32 $0xFFFFD900  }
0x29: {  	[spmem:s7], [sflag:s19] =	dma.local @!p0 [hbm:s11], $0x100  }
.Ltmp3:
0x2a: {  	_ = 	snop;
	(pc) =	sbr.rel .LBB2_8-.Ltmp3, $4  }
0x2b: {  	s7 =	simm.s32 @!p0 $0x7  }
0x2c: {  	_ =	swait.ge @!p0 [sflag:s7], $0x100  }
0x2d: {  	[sflag:s7] =	ssyncset.done @!p0 $0x0  }
0x2e: {  	[sflag:s7] =	ssyncadd.s32 @!p0 $0xFFFFFF00  }
.LBB2_3:
0x2f: {  	s7 =	sshra.s32 s5, $0x2;
	s11 =	sadd.s32 $0x200, s5  }
.LBB2_4:
0x30: {  	p3 =	seq.s32 s11, $0x1E00;
	[tilespmem:s7+$0x68F0] =	vst v0  }
0x31: {  	[tilespmem:s7+$0x6880] =	vst v0  }
0x32: {  	[tilespmem:s7+$0x6890] =	vst v0  }
.Ltmp4:
0x33: {  	[tilespmem:s7+$0x68A0] =	vst v0;
	(pc) =	sbr.rel @!p3 .LBB2_4-.Ltmp4, $4  }
0x34: {  	[tilespmem:s7+$0x68B0] =	vst v0  }
0x35: {  	[tilespmem:s7+$0x68C0] =	vst v0  }
0x36: {  	[tilespmem:s7+$0x68D0] =	vst v0  }
0x37: {  	[tilespmem:s7+$0x68E0] =	vst v0;
	s7 =	sshra.s32 s11, $0x2;
	s11 =	sadd.s32 $0x200, s11  }
0x38: {  	[tilespmem:s7+$0x68F0] =	vst v0  }
0x39: {  	[tilespmem:s7+$0x6880] =	vst v0  }
0x3a: {  	[tilespmem:s7+$0x6890] =	vst v0  }
0x3b: {  	[tilespmem:s7+$0x68A0] =	vst v0  }
0x3c: {  	[tilespmem:s7+$0x68B0] =	vst v0  }
0x3d: {  	[tilespmem:s7+$0x68C0] =	vst v0  }
0x3e: {  	[tilespmem:s7+$0x68D0] =	vst v0  }
0x3f: {  	[tilespmem:s7+$0x68E0] =	vst v0;
	s18 =	sadd.s32 $0x0, s8  }
0x40: {  	[spmem:s18] =	stream.linear.scatter [tilespmem:s24], [sflag:$0x7], $0x800, $0x38;
	[tilespmem:$0x1F100] =	vst v63  }
0x41: {  	s7 =	simm.s32 $0x2000;
	_ =	swait.ge [sflag:s21], $0x800  }
.LBB2_6:
0x42: {  	s11 =	sshra.s32 s7, $0x2;
	[sflag:s21] =	ssyncset.done $0x0;
	p3 =	sne.s32 s7, $0x4C000  }
.Ltmp5:
0x43: {  	s11 =	sadd.s32 s11, s8;
	[sflag:s21] =	ssyncadd.s32 $0xFFFFF800;
	(pc) =	sbr.rel @p3 .LBB2_6-.Ltmp5, $3  }
0x44: {  	[spmem:s11] =	stream.linear.scatter [tilespmem:s24], [sflag:$0x7], $0x800, $0x38;
	[tilespmem:$0x1F100] =	vst v63  }
0x45: {  	s7 =	sadd.s32 $0x2000, s7;
	_ =	sdelay $0x1  }
0x46: {  	_ =	swait.ge [sflag:s21], $0x800  }
0x47: {  	[sflag:s21] =	ssyncset.done $0x0  }
0x48: {  	s7 =	simm.s32 @!p0 $0x6880;
	[sflag:s21] =	ssyncadd.s32 $0xFFFFF800  }
0x49: {  	[spmem:s9] =	stream.linear.scatter @!p0 [tilespmem:s7], [sflag:$0x7], $0x800, $0x38;
	[tilespmem:$0x1F100] =	vst v63  }
0x4a: {  	s7 =	simm.s32 @!p0 $0x7  }
0x4b: {  	_ =	swait.ge @!p0 [sflag:s7], $0x800  }
0x4c: {  	[sflag:s7] =	ssyncset.done @!p0 $0x0  }
0x4d: {  	[sflag:s7] =	ssyncadd.s32 @!p0 $0xFFFFF800  }
.LBB2_8:
0x4e: {  	s11 =	simm.s32 $0x0;
	s7 =	rddreg [dreg:$0xa]  }
0x4f: {  	[tilespmem:s11], [sflag:$0x7] =	stream.linear.gather [hbm4b:s7+s11], $0x3E80, $0x38;
	[tilespmem:$0x1F100] =	vst v63  }
0x50: {  	_ =	swait.ge [sflag:s21], $0x3E80  }
0x51: {  	[sflag:s21] =	ssyncset.done $0x0  }
0x52: {  	s18 =	rddreg [dreg:$0xb];
	[sflag:s21] =	ssyncadd.s32 $0xFFFFC180  }
0x53: {  	[tilespmem:s22], [sflag:$0x7] =	stream.linear.gather [hbm4b:s18+s11], $0x2710, $0x38;
	[tilespmem:$0x1F100] =	vst v63  }
0x54: {  	_ =	swait.ge [sflag:s21], $0x2710  }
0x55: {  	[sflag:s21] =	ssyncset.done $0x0  }
.Ltmp6:
0x56: {  	[sflag:s21] =	ssyncadd.s32 $0xFFFFD8F0;
	(pc) =	sbr.rel .LBB2_9-.Ltmp6, $4  }
0x57: {  	[bflag:$0x0] =	sbarrier.arrive $0xFFFF  }
0x58: {  	[tilespmem:s24], [sflag:$0x1] =	stream.indirect.gather [hbm4b:s0+s23], $0x80, s22, s23, $0xb8;
	[tilespmem:$0x1F100] =	vst v63  }
0x59: {  	_ = 	snop  }
0x5a: {  	[tilespmem:s25], [sflag:$0x5] =	stream.linear.gather [hbm4b:s14+s11], $0x50, $0x38;
	[tilespmem:$0x1F100] =	vst v63  }
.LBB2_18:
0x5b: {  	s11 =	sadd.s32 $0x1, s11  }
0x5c: {  	p3 =	sne.s32 s11, $0x3F  }
.Ltmp7:
0x5d: {  	_ = 	snop;
	(pc) =	sbr.rel @!p3 .LBB2_19-.Ltmp7, $1  }
0x5e: {  	_ =	sdelay $0x3  }
.LBB2_9:
0x5f: {  	p3 =	seq.s32 s11, $0x0  }
0x60: {  	s7 =	sshllo.u32 @!p3 s11, $0x1  }
0x61: {  	p4 =	sgt.u32 @!p3 s7, $0x7C  }
0x62: {  	p4 =	por p3, !p4  }
.Ltmp8:
0x63: {  	_ = 	snop;
	(pc) =	sbr.rel @!p4 .LBB2_10-.Ltmp8, $4  }
0x64: {  	s12 =	simm.s32 @!p3 $0x4  }
0x65: {  	_ =	swait.ge @!p3 [sflag:s12], $0x2800  }
0x66: {  	[sflag:s12] =	ssyncset.done @!p3 $0x0  }
0x67: {  	[sflag:s12] =	ssyncadd.s32 @!p3 $0xFFFFD800  }
0x68: {  	s7 =	simm.s32 @p3 $0x1  }
0x69: {  	s12 =	smul.u32 $0x50, s7;
	_ =	sdelay $0x1  }
.Ltmp9:
0x6a: {  	s15 =	sadd.s32 $0x4000, s12;
	s12 =	sadd.s32 s6, s12;
	(pc) =	sbr.rel .LBB2_12-.Ltmp9, $4  }
0x6b: {  	[tilespmem:s28], [sflag:$0x2] =	stream.indirect.gather [hbm4b:s0+s23], $0x80, s15, s23, $0xb8;
	[tilespmem:$0x1F100] =	vst v63  }
0x6c: {  	s12 =	sshrl.u32 s12, $0x3  }
0x6d: {  	p3 =	por $0x1, $0x1;
	s15 =	sshll.u32 s7, $0x9;
	s12 =	sadd.s32 s1, s12  }
0x6e: {  	[tilespmem:s29], [sflag:$0x6] =	stream.linear.gather [hbm4b:s12+s5], $0x50, $0x38;
	[tilespmem:$0x1F100] =	vst v63  }
.LBB2_10:
0x6f: {  	s15 =	simm.s32 @!p3 $0xFA00;
	p3 =	por @!p3 $0x0, $0x0  }
.LBB2_12:
0x70: {  	s7 =	simm.s32 $0x0  }
0x71: {  	v1 =	vmov s7  }
0x72: {  	v1 =	vand.u32 $0xFFFFFFFE, v1  }
0x73: {  	_ =	swait.ge [sflag:s26], $0x2800;
	v1 =	vbroadcast v1, $0x0  }
0x74: {  	[sflag:s26] =	ssyncset.done $0x0  }
0x75: {  	[sflag:s26] =	ssyncadd.s32 $0xFFFFD800  }
0x76: {  	_ =	swait.ge [sflag:s30], $0x50  }
0x77: {  	[sflag:s30] =	ssyncset.done $0x0  }
0x78: {  	[sflag:s30] =	ssyncadd.s32 $0xFFFFFFB0  }
0x79: {  	s16 =	simm.s32 $0x6900;
	v1 =	vld.idx.msk [tilespmem:v1+s25+$0x0], $0xffff  }
0x7a: {  	v2 =	vld [tilespmem:s16+$0xFFFFFFF0]  }
0x7b: {  	s18 =	simm.s32 $0x1;
	v8 =	vld [tilespmem:s16+$0xFFFFFF80]  }
0x7c: {  	v9 =	vmov s18;
	v11 =	vld [tilespmem:s16+$0xFFFFFF90]  }
0x7d: {  	v7 =	vld [tilespmem:s16+$0xFFFFFFA0]  }
0x7e: {  	v6 =	vld [tilespmem:s16+$0xFFFFFFB0];
	v1 =	vmul.f32 $4.000000060e-01, v1  }
0x7f: {  	v4 =	vld [tilespmem:s16+$0xFFFFFFC0]  }
0x80: {  	v5 =	vld [tilespmem:s16+$0xFFFFFFD0];
	v12 =	vmul.f32 v2, v1  }
0x81: {  	s18 =	simm.s32 $0x2;
	v2 =	vld.idx.msk [tilespmem:v9+s25+$0x0], $0xffff;
	v9 =	vmul.f32 v1, v8  }
0x82: {  	s12 =	simm.s32 $0x4;
	s7 =	simm.s32 $0x6900;
	v10 =	vmov s18;
	v3 =	vld [tilespmem:s16+$0xFFFFFFE0];
	v8 =	vmul.f32 v11, v1;
	[tilespmem:s16+$0xFFFFFFF0] =	vst v12  }
.LBB2_13:
0x83: {  	p4 =	slt.u32 s12, $0x4E;
	v10 =	vand.u32 $0xFFFFFFFE, v10;
	[tilespmem:s16+$0xFFFFFF80] =	vst v9;
	v7 =	vmul.f32 v7, v1;
	v9 =	vld [tilespmem:s16+$0x0]  }
0x84: {  	v10 =	vbroadcast v10, $0x0;
	[tilespmem:s16+$0xFFFFFF90] =	vst v8;
	v6 =	vmul.f32 v6, v1;
	v8 =	vld [tilespmem:s16+$0x10]  }
0x85: {  	[tilespmem:s16+$0xFFFFFFA0] =	vst v7;
	v4 =	vmul.f32 v4, v1;
	v7 =	vld [tilespmem:s16+$0x20]  }
0x86: {  	s13 =	sadd.s32 $0x1, s18;
	s18 =	smov.u32 s12;
	[tilespmem:s16+$0xFFFFFFB0] =	vst v6;
	v5 =	vmul.f32 v5, v1;
	v6 =	vmul.f32 $4.000000060e-01, v2;
	v2 =	vld [tilespmem:s16+$0x30]  }
0x87: {  	v11 =	vmov s13;
	[tilespmem:s16+$0xFFFFFFC0] =	vst v4;
	v1 =	vmul.f32 v3, v1;
	v3 =	vld [tilespmem:s16+$0x40]  }
0x88: {  	[tilespmem:s16+$0xFFFFFFD0] =	vst v5;
	v4 =	vmul.f32 v6, v9;
	v5 =	vld [tilespmem:s16+$0x50]  }
0x89: {  	[tilespmem:s16+$0xFFFFFFE0] =	vst v1;
	v1 =	vmul.f32 v8, v6;
	v8 =	vld [tilespmem:s16+$0x60]  }
0x8a: {  	v9 =	vld.idx.msk [tilespmem:v10+s25+$0x0], $0xffff;
	[tilespmem:s16+$0x0] =	vst v4;
	v4 =	vmul.f32 v7, v6  }
0x8b: {  	[tilespmem:s16+$0x10] =	vst v1;
	v1 =	vmul.f32 v2, v6;
	v10 =	vld [tilespmem:s16+$0x70]  }
0x8c: {  	s16 =	sadd.s32 $0x100, s16;
	v2 =	vld.idx.msk [tilespmem:v11+s25+$0x0], $0xffff;
	[tilespmem:s7+$0x20] =	vst v4;
	v3 =	vmul.f32 v3, v6  }
0x8d: {  	v11 =	vld [tilespmem:s16+$0xFFFFFFF0];
	[tilespmem:s7+$0x30] =	vst v1;
	v1 =	vmul.f32 v5, v6  }
0x8e: {  	v5 =	vld [tilespmem:s16+$0xFFFFFF80];
	[tilespmem:s7+$0x40] =	vst v3;
	v3 =	vmul.f32 v8, v6  }
0x8f: {  	v8 =	vld [tilespmem:s16+$0xFFFFFF90];
	[tilespmem:s7+$0x50] =	vst v1  }
.Ltmp10:
0x90: {  	v1 =	vmul.f32 $4.000000060e-01, v9;
	v7 =	vld [tilespmem:s16+$0xFFFFFFA0];
	[tilespmem:s7+$0x60] =	vst v3;
	v3 =	vmul.f32 v10, v6;
	(pc) =	sbr.rel @p4 .LBB2_13-.Ltmp10, $4  }
0x91: {  	v6 =	vld [tilespmem:s16+$0xFFFFFFB0]  }
0x92: {  	v4 =	vld [tilespmem:s16+$0xFFFFFFC0];
	v11 =	vmul.f32 v11, v1;
	[tilespmem:s7+$0x70] =	vst v3;
	s7 =	smov.u32 s16  }
0x93: {  	v9 =	vmul.f32 v1, v5;
	v5 =	vld [tilespmem:s16+$0xFFFFFFD0]  }
0x94: {  	s12 =	sadd.s32 $0x2, s12;
	v10 =	vmov s18;
	v8 =	vmul.f32 v8, v1;
	v3 =	vld [tilespmem:s16+$0xFFFFFFE0];
	[tilespmem:s16+$0xFFFFFFF0] =	vst v11  }
0x95: {  	v11 =	vld [tilespmem:s16+$0x0]  }
0x96: {  	v10 =	vand.u32 $0xFFFFFFFE, v10;
	v12 =	vld [tilespmem:s16+$0x10]  }
0x97: {  	v13 =	vld [tilespmem:s16+$0x20];
	[tilespmem:s16+$0xFFFFFF80] =	vst v9;
	v7 =	vmul.f32 v7, v1;
	v10 =	vbroadcast v10, $0x0  }
0x98: {  	v40 =	vld [tilespmem:s16+$0x30];
	[tilespmem:s16+$0xFFFFFF90] =	vst v8;
	v6 =	vmul.f32 v6, v1  }
0x99: {  	v41 =	vld [tilespmem:s16+$0x40];
	[tilespmem:s16+$0xFFFFFFA0] =	vst v7;
	v4 =	vmul.f32 v4, v1  }
0x9a: {  	v2 =	vmul.f32 $4.000000060e-01, v2;
	v14 =	vld [tilespmem:s16+$0x50];
	[tilespmem:s16+$0xFFFFFFB0] =	vst v6;
	v5 =	vmul.f32 v5, v1  }
0x9b: {  	v44 =	vld [tilespmem:s16+$0x60];
	s13 =	sadd.s32 $0x100, s16;
	[tilespmem:s16+$0xFFFFFFC0] =	vst v4;
	v1 =	vmul.f32 v3, v1  }
0x9c: {  	v48 =	vld [tilespmem:s13+$0xFFFFFFF0];
	v11 =	vmul.f32 v2, v11;
	[tilespmem:s16+$0xFFFFFFD0] =	vst v5  }
0x9d: {  	v43 =	vmul.f32 v12, v2;
	[tilespmem:s16+$0xFFFFFFE0] =	vst v1;
	v45 =	vld.idx.msk [tilespmem:v10+s25+$0x0], $0xffff  }
0x9e: {  	v3 =	vld [tilespmem:s16+$0x70];
	v46 =	vmul.f32 v13, v2;
	[tilespmem:s16+$0x0] =	vst v11  }
0x9f: {  	s12 =	sadd.s32 $0x1, s18;
	v50 =	vld [tilespmem:s13+$0xFFFFFF80];
	v1 =	vmul.f32 v40, v2;
	[tilespmem:s16+$0x10] =	vst v43  }
0xa0: {  	v42 =	vmov s12;
	v51 =	vld [tilespmem:s13+$0xFFFFFF90];
	v49 =	vmul.f32 v41, v2;
	[tilespmem:s7+$0x20] =	vst v46  }
0xa1: {  	v53 =	vld [tilespmem:s13+$0xFFFFFFA0];
	[tilespmem:s7+$0x30] =	vst v1;
	v1 =	vmul.f32 v14, v2  }
0xa2: {  	v55 =	vld [tilespmem:s13+$0xFFFFFFD0];
	v52 =	vmul.f32 v44, v2;
	[tilespmem:s7+$0x40] =	vst v49;
	v6 =	vmul.f32 $4.000000060e-01, v45  }
0xa3: {  	[tilespmem:s7+$0x50] =	vst v1;
	v1 =	vmul.f32 v3, v2;
	v2 =	vld [tilespmem:s13+$0xFFFFFFB0]  }
0xa4: {  	[tilespmem:s7+$0x60] =	vst v52;
	v3 =	vld [tilespmem:s13+$0xFFFFFFC0];
	v54 =	vmul.f32 v48, v6  }
0xa5: {  	v47 =	vld.idx.msk [tilespmem:v42+s25+$0x0], $0xffff;
	[tilespmem:s7+$0x70] =	vst v1;
	v1 =	vmul.f32 v6, v50  }
0xa6: {  	v57 =	vld [tilespmem:s13+$0xFFFFFFE0];
	v56 =	vmul.f32 v51, v6;
	[tilespmem:s13+$0xFFFFFFF0] =	vst v54  }
0xa7: {  	v58 =	vld [tilespmem:s13+$0x0];
	[tilespmem:s13+$0xFFFFFF80] =	vst v1;
	v1 =	vmul.f32 v53, v6  }
0xa8: {  	v59 =	vld [tilespmem:s13+$0x10];
	v2 =	vmul.f32 v2, v6;
	[tilespmem:s13+$0xFFFFFF90] =	vst v56  }
0xa9: {  	[tilespmem:s13+$0xFFFFFFA0] =	vst v1;
	v1 =	vmul.f32 v3, v6;
	v3 =	vld [tilespmem:s13+$0x20]  }
0xaa: {  	v60 =	vld [tilespmem:s13+$0x30];
	v5 =	vmul.f32 $4.000000060e-01, v47;
	[tilespmem:s13+$0xFFFFFFB0] =	vst v2;
	v2 =	vmul.f32 v55, v6  }
0xab: {  	v61 =	vld [tilespmem:s13+$0x40];
	[tilespmem:s13+$0xFFFFFFC0] =	vst v1;
	v1 =	vmul.f32 v57, v6  }
0xac: {  	v62 =	vld [tilespmem:s13+$0x50];
	[tilespmem:s13+$0xFFFFFFD0] =	vst v2;
	v2 =	vmul.f32 v5, v58  }
0xad: {  	v63 =	vld [tilespmem:s13+$0x60];
	[tilespmem:s13+$0xFFFFFFE0] =	vst v1;
	v1 =	vmul.f32 v59, v5  }
0xae: {  	[tilespmem:s13+$0x0] =	vst v2;
	v2 =	vmul.f32 v3, v5;
	v3 =	vld [tilespmem:s13+$0x70]  }
0xaf: {  	[tilespmem:s13+$0x10] =	vst v1;
	v1 =	vmul.f32 v60, v5  }
0xb0: {  	[tilespmem:s13+$0x20] =	vst v2;
	v2 =	vmul.f32 v61, v5  }
0xb1: {  	[tilespmem:s13+$0x30] =	vst v1;
	v1 =	vmul.f32 v62, v5  }
.Ltmp11:
0xb2: {  	[tilespmem:s13+$0x40] =	vst v2;
	v2 =	vmul.f32 v63, v5;
	(pc) =	sbr.rel @!p3 .LBB2_18-.Ltmp11, $4  }
0xb3: {  	[tilespmem:s13+$0x50] =	vst v1;
	v1 =	vmul.f32 v3, v5  }
0xb4: {  	s18 =	sshll.u32 s11, $0x8;
	[tilespmem:s13+$0x60] =	vst v2  }
0xb5: {  	s7 =	sand.u32 $0x3FFFFF00, s18;
	[tilespmem:s13+$0x70] =	vst v1  }
0xb6: {  	[spmem:s4] =	stream.indirect.scatter.add.f32 [tilespmem:s24], [sflag:$0x3], $0x80, s7, s23, $0xb8;
	[tilespmem:$0x1F100] =	vst v63  }
0xb7: {  	p3 =	seq.s32 s11, $0x3E  }
0xb8: {  	_ =	swait.ge [sflag:s31], $0x2800;
	s7 =	smul.u32 @!p3 $0xA0, s11  }
0xb9: {  	[sflag:s31] =	ssyncset.done $0x0;
	s13 =	simm.s32 @!p3 $0x50;
	s16 =	simm.s32 @!p3 $0x6880  }
0xba: {  	[sflag:s31] =	ssyncadd.s32 $0xFFFFD800;
	s12 =	sadd.s32 @!p3 s6, s7;
	s7 =	sadd.s32 @!p3 $0x40A0, s7  }
0xbb: {  	[tilespmem:s16], [sflag:$0x1] =	stream.indirect.gather @!p3 [hbm4b:s0+s13], $0x80, s7, s13, $0xb8;
	[tilespmem:$0x1F100] =	vst v63  }
0xbc: {  	s7 =	sshrl.u32 @!p3 s12, $0x3  }
0xbd: {  	s18 =	simm.s32 $0x0;
	s7 =	sadd.s32 @!p3 s1, s7  }
0xbe: {  	v1 =	vmov s18;
	s13 =	simm.s32 @!p3 $0x0;
	s16 =	simm.s32 @!p3 $0x6780;
	s7 =	sadd.s32 @!p3 $0x14, s7  }
0xbf: {  	v1 =	vand.u32 $0xFFFFFFFE, v1;
	[tilespmem:s16], [sflag:$0x5] =	stream.linear.gather @!p3 [hbm4b:s7+s13], $0x50, $0x38;
	[tilespmem:$0x1F100] =	vst v63  }
0xc0: {  	v1 =	vbroadcast v1, $0x0;
	_ =	swait.ge [sflag:s2], $0x2800  }
0xc1: {  	[sflag:s2] =	ssyncset.done $0x0  }
0xc2: {  	[sflag:s2] =	ssyncadd.s32 $0xFFFFD800  }
0xc3: {  	_ =	swait.ge [sflag:s3], $0x50  }
0xc4: {  	[sflag:s3] =	ssyncset.done $0x0  }
0xc5: {  	[sflag:s3] =	ssyncadd.s32 $0xFFFFFFB0  }
0xc6: {  	s16 =	simm.s32 $0x9100;
	v1 =	vld.idx.msk [tilespmem:v1+s29+$0x0], $0xffff  }
0xc7: {  	v2 =	vld [tilespmem:s16+$0xFFFFFFF0]  }
0xc8: {  	s18 =	simm.s32 $0x1;
	v8 =	vld [tilespmem:s16+$0xFFFFFF80]  }
0xc9: {  	v9 =	vmov s18;
	v11 =	vld [tilespmem:s16+$0xFFFFFF90]  }
0xca: {  	v7 =	vld [tilespmem:s16+$0xFFFFFFA0]  }
0xcb: {  	v6 =	vld [tilespmem:s16+$0xFFFFFFB0];
	v1 =	vmul.f32 $4.000000060e-01, v1  }
0xcc: {  	v4 =	vld [tilespmem:s16+$0xFFFFFFC0]  }
0xcd: {  	v5 =	vld [tilespmem:s16+$0xFFFFFFD0];
	v12 =	vmul.f32 v2, v1  }
0xce: {  	s18 =	simm.s32 $0x2;
	v2 =	vld.idx.msk [tilespmem:v9+s29+$0x0], $0xffff;
	v9 =	vmul.f32 v1, v8  }
0xcf: {  	v10 =	vmov s18;
	s12 =	simm.s32 $0x4;
	s7 =	simm.s32 $0x9100;
	v3 =	vld [tilespmem:s16+$0xFFFFFFE0];
	v8 =	vmul.f32 v11, v1;
	[tilespmem:s16+$0xFFFFFFF0] =	vst v12  }
.LBB2_16:
0xd0: {  	p3 =	slt.u32 s12, $0x4E;
	v10 =	vand.u32 $0xFFFFFFFE, v10;
	[tilespmem:s16+$0xFFFFFF80] =	vst v9;
	v7 =	vmul.f32 v7, v1;
	v9 =	vld [tilespmem:s16+$0x0]  }
0xd1: {  	v10 =	vbroadcast v10, $0x0;
	[tilespmem:s16+$0xFFFFFF90] =	vst v8;
	v6 =	vmul.f32 v6, v1;
	v8 =	vld [tilespmem:s16+$0x10]  }
0xd2: {  	[tilespmem:s16+$0xFFFFFFA0] =	vst v7;
	v4 =	vmul.f32 v4, v1;
	v7 =	vld [tilespmem:s16+$0x20]  }
0xd3: {  	s13 =	sadd.s32 $0x1, s18;
	s18 =	smov.u32 s12;
	[tilespmem:s16+$0xFFFFFFB0] =	vst v6;
	v5 =	vmul.f32 v5, v1;
	v6 =	vmul.f32 $4.000000060e-01, v2;
	v2 =	vld [tilespmem:s16+$0x30]  }
0xd4: {  	v11 =	vmov s13;
	[tilespmem:s16+$0xFFFFFFC0] =	vst v4;
	v1 =	vmul.f32 v3, v1;
	v3 =	vld [tilespmem:s16+$0x40]  }
0xd5: {  	[tilespmem:s16+$0xFFFFFFD0] =	vst v5;
	v4 =	vmul.f32 v6, v9;
	v5 =	vld [tilespmem:s16+$0x50]  }
0xd6: {  	[tilespmem:s16+$0xFFFFFFE0] =	vst v1;
	v1 =	vmul.f32 v8, v6;
	v8 =	vld [tilespmem:s16+$0x60]  }
0xd7: {  	v9 =	vld.idx.msk [tilespmem:v10+s29+$0x0], $0xffff;
	[tilespmem:s16+$0x0] =	vst v4;
	v4 =	vmul.f32 v7, v6  }
0xd8: {  	[tilespmem:s16+$0x10] =	vst v1;
	v1 =	vmul.f32 v2, v6;
	v10 =	vld [tilespmem:s16+$0x70]  }
0xd9: {  	s16 =	sadd.s32 $0x100, s16;
	v2 =	vld.idx.msk [tilespmem:v11+s29+$0x0], $0xffff;
	[tilespmem:s7+$0x20] =	vst v4;
	v3 =	vmul.f32 v3, v6  }
0xda: {  	v11 =	vld [tilespmem:s16+$0xFFFFFFF0];
	[tilespmem:s7+$0x30] =	vst v1;
	v1 =	vmul.f32 v5, v6  }
0xdb: {  	v5 =	vld [tilespmem:s16+$0xFFFFFF80];
	[tilespmem:s7+$0x40] =	vst v3;
	v3 =	vmul.f32 v8, v6  }
0xdc: {  	v8 =	vld [tilespmem:s16+$0xFFFFFF90];
	[tilespmem:s7+$0x50] =	vst v1  }
.Ltmp12:
0xdd: {  	v1 =	vmul.f32 $4.000000060e-01, v9;
	v7 =	vld [tilespmem:s16+$0xFFFFFFA0];
	[tilespmem:s7+$0x60] =	vst v3;
	v3 =	vmul.f32 v10, v6;
	(pc) =	sbr.rel @p3 .LBB2_16-.Ltmp12, $4  }
0xde: {  	v6 =	vld [tilespmem:s16+$0xFFFFFFB0]  }
0xdf: {  	v4 =	vld [tilespmem:s16+$0xFFFFFFC0];
	v11 =	vmul.f32 v11, v1;
	[tilespmem:s7+$0x70] =	vst v3;
	s7 =	smov.u32 s16  }
0xe0: {  	v9 =	vmul.f32 v1, v5;
	v5 =	vld [tilespmem:s16+$0xFFFFFFD0]  }
0xe1: {  	s12 =	sadd.s32 $0x2, s12;
	v10 =	vmov s18;
	v8 =	vmul.f32 v8, v1;
	v3 =	vld [tilespmem:s16+$0xFFFFFFE0];
	[tilespmem:s16+$0xFFFFFFF0] =	vst v11  }
0xe2: {  	v11 =	vld [tilespmem:s16+$0x0]  }
0xe3: {  	v10 =	vand.u32 $0xFFFFFFFE, v10;
	v12 =	vld [tilespmem:s16+$0x10]  }
0xe4: {  	v13 =	vld [tilespmem:s16+$0x20];
	[tilespmem:s16+$0xFFFFFF80] =	vst v9;
	v7 =	vmul.f32 v7, v1;
	v10 =	vbroadcast v10, $0x0  }
0xe5: {  	v40 =	vld [tilespmem:s16+$0x30];
	[tilespmem:s16+$0xFFFFFF90] =	vst v8;
	v6 =	vmul.f32 v6, v1  }
0xe6: {  	v41 =	vld [tilespmem:s16+$0x40];
	[tilespmem:s16+$0xFFFFFFA0] =	vst v7;
	v4 =	vmul.f32 v4, v1  }
0xe7: {  	v2 =	vmul.f32 $4.000000060e-01, v2;
	v14 =	vld [tilespmem:s16+$0x50];
	[tilespmem:s16+$0xFFFFFFB0] =	vst v6;
	v5 =	vmul.f32 v5, v1  }
0xe8: {  	v44 =	vld [tilespmem:s16+$0x60];
	s13 =	sadd.s32 $0x100, s16;
	[tilespmem:s16+$0xFFFFFFC0] =	vst v4;
	v1 =	vmul.f32 v3, v1  }
0xe9: {  	v48 =	vld [tilespmem:s13+$0xFFFFFFF0];
	v11 =	vmul.f32 v2, v11;
	[tilespmem:s16+$0xFFFFFFD0] =	vst v5  }
0xea: {  	v43 =	vmul.f32 v12, v2;
	[tilespmem:s16+$0xFFFFFFE0] =	vst v1;
	v45 =	vld.idx.msk [tilespmem:v10+s29+$0x0], $0xffff  }
0xeb: {  	v3 =	vld [tilespmem:s16+$0x70];
	v46 =	vmul.f32 v13, v2;
	[tilespmem:s16+$0x0] =	vst v11  }
0xec: {  	s12 =	sadd.s32 $0x1, s18;
	v50 =	vld [tilespmem:s13+$0xFFFFFF80];
	v1 =	vmul.f32 v40, v2;
	[tilespmem:s16+$0x10] =	vst v43  }
0xed: {  	v42 =	vmov s12;
	v51 =	vld [tilespmem:s13+$0xFFFFFF90];
	v49 =	vmul.f32 v41, v2;
	[tilespmem:s7+$0x20] =	vst v46  }
0xee: {  	v53 =	vld [tilespmem:s13+$0xFFFFFFA0];
	[tilespmem:s7+$0x30] =	vst v1;
	v1 =	vmul.f32 v14, v2  }
0xef: {  	v55 =	vld [tilespmem:s13+$0xFFFFFFD0];
	v52 =	vmul.f32 v44, v2;
	[tilespmem:s7+$0x40] =	vst v49;
	v6 =	vmul.f32 $4.000000060e-01, v45  }
0xf0: {  	[tilespmem:s7+$0x50] =	vst v1;
	v1 =	vmul.f32 v3, v2;
	v2 =	vld [tilespmem:s13+$0xFFFFFFB0]  }
0xf1: {  	[tilespmem:s7+$0x60] =	vst v52;
	v3 =	vld [tilespmem:s13+$0xFFFFFFC0];
	v54 =	vmul.f32 v48, v6  }
0xf2: {  	v47 =	vld.idx.msk [tilespmem:v42+s29+$0x0], $0xffff;
	[tilespmem:s7+$0x70] =	vst v1;
	v1 =	vmul.f32 v6, v50  }
0xf3: {  	v57 =	vld [tilespmem:s13+$0xFFFFFFE0];
	v56 =	vmul.f32 v51, v6;
	[tilespmem:s13+$0xFFFFFFF0] =	vst v54  }
0xf4: {  	v58 =	vld [tilespmem:s13+$0x0];
	[tilespmem:s13+$0xFFFFFF80] =	vst v1;
	v1 =	vmul.f32 v53, v6  }
0xf5: {  	v59 =	vld [tilespmem:s13+$0x10];
	v2 =	vmul.f32 v2, v6;
	[tilespmem:s13+$0xFFFFFF90] =	vst v56  }
0xf6: {  	[tilespmem:s13+$0xFFFFFFA0] =	vst v1;
	v1 =	vmul.f32 v3, v6;
	v3 =	vld [tilespmem:s13+$0x20]  }
0xf7: {  	v60 =	vld [tilespmem:s13+$0x30];
	v5 =	vmul.f32 $4.000000060e-01, v47;
	[tilespmem:s13+$0xFFFFFFB0] =	vst v2;
	v2 =	vmul.f32 v55, v6  }
0xf8: {  	v61 =	vld [tilespmem:s13+$0x40];
	[tilespmem:s13+$0xFFFFFFC0] =	vst v1;
	v1 =	vmul.f32 v57, v6  }
0xf9: {  	v62 =	vld [tilespmem:s13+$0x50];
	[tilespmem:s13+$0xFFFFFFD0] =	vst v2;
	v2 =	vmul.f32 v5, v58  }
0xfa: {  	v63 =	vld [tilespmem:s13+$0x60];
	[tilespmem:s13+$0xFFFFFFE0] =	vst v1;
	v1 =	vmul.f32 v59, v5  }
0xfb: {  	[tilespmem:s13+$0x0] =	vst v2;
	v2 =	vmul.f32 v3, v5;
	v3 =	vld [tilespmem:s13+$0x70]  }
0xfc: {  	[tilespmem:s13+$0x10] =	vst v1;
	v1 =	vmul.f32 v60, v5  }
0xfd: {  	[tilespmem:s13+$0x20] =	vst v2;
	v2 =	vmul.f32 v61, v5  }
0xfe: {  	[tilespmem:s13+$0x30] =	vst v1;
	v1 =	vmul.f32 v62, v5  }
.Ltmp13:
0xff: {  	[tilespmem:s13+$0x40] =	vst v2;
	v2 =	vmul.f32 v63, v5;
	(pc) =	sbr.rel .LBB2_18-.Ltmp13, $4  }
0x100: {  	[tilespmem:s13+$0x50] =	vst v1;
	v1 =	vmul.f32 v3, v5  }
0x101: {  	[tilespmem:s13+$0x60] =	vst v2  }
0x102: {  	s18 =	sshrl.u32 s15, $0x2;
	[tilespmem:s13+$0x70] =	vst v1  }
0x103: {  	[spmem:s4] =	stream.indirect.scatter.add.f32 [tilespmem:s28], [sflag:$0x4], $0x80, s18, s23, $0xb8;
	[tilespmem:$0x1F100] =	vst v63  }
.LBB2_19:
.Ltmp14:
0x104: {  	_ =	swait.ge [sflag:s31], $0x2800;
	(pc) =	sbr.rel @p1 .LBB2_21-.Ltmp14, $3  }
0x105: {  	[sflag:s31] =	ssyncset.done $0x0  }
0x106: {  	[sflag:s31] =	ssyncadd.s32 $0xFFFFD800  }
0x107: {  	[bflag:$0x0] =	sbarrier.arrive $0xFFFF;
	_ =	sdelay $0x1  }
0x108: {  	s7 =	rddreg [dreg:$0xe]  }
0x109: {  	s11 =	rddreg [dreg:$0xd];
	s7 =	sor.u32 $0x1C07, s7  }
0x10a: {  	[hbm:s11], [sflag:s7] =	dma.local [spmem:s20], $0x2700  }
.Ltmp15:
0x10b: {  	_ = 	snop;
	(pc) =	sbr.rel @!p2 .LBB2_23-.Ltmp15, $4  }
.Ltmp16:
0x10c: {  	_ =	swait.ge [sflag:s21], $0x2700;
	(pc) =	sbr.rel @p2 .LBB2_22-.Ltmp16, $4  }
0x10d: {  	[sflag:s21] =	ssyncset.done $0x0  }
0x10e: {  	[sflag:s21] =	ssyncadd.s32 $0xFFFFD900  }
0x10f: {  	s11 =	rddreg [dreg:$0x4]  }
0x110: {  	_ = 	snop  }
.LBB2_21:
0x111: {  	s7 =	rddreg [dreg:$0xc]  }
0x112: {  	[hbm:s7], [sflag:s19] =	dma.local [spmem:s20], $0x2700  }
.Ltmp17:
0x113: {  	_ = 	snop;
	(pc) =	sbr.rel @p0 .LBB2_23-.Ltmp17, $4  }
.Ltmp18:
0x114: {  	_ = 	snop;
	(pc) =	sbr.rel @!p0 .LBB2_22-.Ltmp18, $4  }
0x115: {  	_ =	swait.ge [sflag:s21], $0x2700  }
0x116: {  	[sflag:s21] =	ssyncset.done $0x0  }
0x117: {  	s7 =	smov.u32 s19;
	s11 =	rddreg [dreg:$0x7];
	[sflag:s21] =	ssyncadd.s32 $0xFFFFD900  }
0x118: {  	_ = 	snop  }
.LBB2_24:
0x119: {  	_ =	sfence.sel $0x180000  }
0x11a: {  	[bflag:$0x0] =	sbarrier.arrive $0xFFFF  }
0x11b: {  	_ =	strace $0x90000047  }
0x11c: {  	[bflag:$0x2] =	sbarrier.arrive $0xFFFF  }
0x11d: {  	s0 =	rddreg [dreg:$0x6]  }
0x11e: {  	s0 =	sadd.s32 @!p0 $0x100000, s0  }
0x11f: {  	[sflag:s0] =	ssyncadd.tile.s32 @!p0 $0x1;
	_ =	shalt  }
.Lfunc_end2:
_tile_overlayer_lowered:
.L_overlay_start_2:
0x120: {  	(tag) =	ssettag $0x2  }
0x121: {  	s0 =	rddreg [dreg:$0x0];
	s2 =	stileid.u32  }
0x122: {  	s1 =	rddreg [dreg:$0x1];
	p0 =	sne.s32 s2, $0x0  }
0x123: {  	s3 =	rddreg [dreg:$0x2];
	[bflag:$0x3] =	sbarrier.arrive $0xFFFF;
	s2 =	simm.s32 @!p0 $0x1C07  }
0x124: {  	[timem:s3], [sflag:s2] =	dma.local @!p0 [hbm:s0], s1  }
0x125: {  	s0 =	simm.s32 @!p0 $0x7  }
0x126: {  	_ =	swait.ge @!p0 [sflag:s0], s1  }
0x127: {  	s1 =	ssub.s32 @!p0 $0x0, s1;
	[sflag:s0] =	ssyncset.done @!p0 $0x0  }
0x128: {  	[sflag:s0] =	ssyncadd.s32 @!p0 s1  }
0x129: {  	[bflag:$0x3] =	sbarrier.arrive $0xFFFF  }
0x12a: {  	_ =	shalt  }

</sc_bundles>
